<compile_context>
chip_gen: v7x
topology: tpu7x:2x2x1
jax: 0.10.2.dev20260603
libtpu: 0.0.44.dev20260713+nightly
codegen_flags: <defaults>
</compile_context>

<pallas_src>
import functools

import jax
import jax.numpy as jnp
from jax import lax
from jax.experimental import pallas as pl
from jax.experimental.pallas import tpu as pltpu
from jax.experimental.pallas import tpu_sc as plsc

N = 10000
E = 320000
IN = 128
CD = 16
S = 4
EMB = 128
HID = 2 * EMB
DIN = IN + CD
F = IN + S * CD
HW = F // 2

NC = 2
NS = 16

CH = 40
DEPTH = 8
PF = 6
EPAD = 322560
TCH = EPAD // CH // NS
NPAD = 10112
RPT = NPAD // NS

BN = 2000
GRID = N // BN


def _sc_scatter(feat_a, feat_b, src2d, dst2d, zrows):
    mesh = plsc.VectorSubcoreMesh(core_axis_name="c", subcore_axis_name="s")

    idx_scratch = [pltpu.VMEM((CH,), jnp.int32) for _ in range(2 * DEPTH)]
    idx_sems = [pltpu.SemaphoreType.DMA for _ in range(2 * DEPTH)]

    @functools.partial(
        pl.kernel,
        out_type=jax.ShapeDtypeStruct((NC, NPAD, HW), jnp.float32),
        mesh=mesh,
        scratch_types=[
            pltpu.VMEM((CH, HW), jnp.float32),
            pltpu.VMEM((CH, HW), jnp.float32),
            pltpu.VMEM_SHARED((NPAD, HW), jnp.float32),
            pltpu.VMEM_SHARED((NPAD, HW), jnp.float32),
            pltpu.SemaphoreType.DMA,
            pltpu.SemaphoreType.DMA,
            pltpu.SemaphoreType.DMA,
            pltpu.SemaphoreType.DMA,
        ] + idx_scratch + idx_sems,
        compiler_params=pltpu.CompilerParams(use_tc_tiling_on_sc=False),
    )
    def k(fa_hbm, fb_hbm, src_hbm, dst_hbm, z_hbm, out_hbm,
          g0, g1, table, acc, semg0, semg1, sems0, sems1, *idx_args):
        sbuf = idx_args[0:DEPTH]
        dbuf = idx_args[DEPTH:2 * DEPTH]
        ssem = idx_args[2 * DEPTH:3 * DEPTH]
        dsem = idx_args[3 * DEPTH:4 * DEPTH]
        gbuf = (g0, g1)
        gsem = (semg0, semg1)
        ssem2 = (sems0, sems1)
        cid = lax.axis_index("c")
        sid = lax.axis_index("s")
        rows = pl.ds(sid * RPT, RPT)
        base = sid * TCH

        @pl.when(cid == 0)
        def _():
            pltpu.sync_copy(fa_hbm.at[rows], table.at[rows])

        @pl.when(cid == 1)
        def _():
            pltpu.sync_copy(fb_hbm.at[rows], table.at[rows])

        pltpu.sync_copy(z_hbm, acc.at[rows])

        for s_ in range(PF):
            pltpu.async_copy(src_hbm.at[base + s_], sbuf[s_], ssem[s_])
            pltpu.async_copy(dst_hbm.at[base + s_], dbuf[s_], dsem[s_])
        plsc.subcore_barrier()

        def body(g_, carry):
            for k_ in range(DEPTH):
                chunk = g_ * DEPTH + k_
                gs = k_ % 2
                pltpu.make_async_copy(src_hbm.at[base], sbuf[k_],
                                      ssem[k_]).wait()
                pltpu.make_async_copy(dst_hbm.at[base], dbuf[k_],
                                      dsem[k_]).wait()
                @pl.when(chunk >= 2)
                def _():
                    pltpu.make_async_copy(gbuf[gs], acc.at[dbuf[k_]],
                                          ssem2[gs]).wait()
                pltpu.async_copy(table.at[sbuf[k_]], gbuf[gs],
                                 gsem[gs]).wait()
                pltpu.async_copy(gbuf[gs], acc.at[dbuf[k_]], ssem2[gs],
                                 add=True)
                pf = (k_ + PF) % DEPTH
                @pl.when(chunk + PF < TCH)
                def _():
                    pltpu.async_copy(src_hbm.at[base + chunk + PF],
                                     sbuf[pf], ssem[pf])
                    pltpu.async_copy(dst_hbm.at[base + chunk + PF],
                                     dbuf[pf], dsem[pf])
            return carry

        lax.fori_loop(0, TCH // DEPTH, body, 0)
        pltpu.make_async_copy(gbuf[0], acc.at[dbuf[0]], ssem2[0]).wait()
        pltpu.make_async_copy(gbuf[1], acc.at[dbuf[1]], ssem2[1]).wait()
        plsc.subcore_barrier()
        pltpu.sync_copy(acc.at[rows], out_hbm.at[cid, rows])

    return k(feat_a, feat_b, src2d, dst2d, zrows)


def _mlp_body(x_ref, c_ref, p0_ref, p1_ref, eps_ref, w1x_ref, w1c_ref,
              b1_ref, gamma_ref, beta_ref, w2_ref, b2_ref, out_ref,
              z_ref, st_ref):
    p = pl.program_id(0)
    i = pl.program_id(1)
    e1 = 1.0 + eps_ref[0, 0]

    @pl.when(p == 0)
    def _():
        agg = jnp.concatenate([p0_ref[0], p1_ref[0]], axis=1)
        feat = jnp.concatenate([x_ref[...], c_ref[...]], axis=1)
        z = e1 * feat + agg
        z_ref[pl.ds(i * BN, BN), :] = z
        base = jnp.dot(z[:, :IN], w1x_ref[...],
                       preferred_element_type=jnp.float32)
        tot = jnp.zeros((HID,), jnp.float32)
        totq = jnp.zeros((HID,), jnp.float32)
        for s in range(S):
            lo = IN + s * CD
            a = base + jnp.dot(z[:, lo:lo + CD], w1c_ref[...],
                               preferred_element_type=jnp.float32) \
                + b1_ref[0, :]
            tot = tot + a.sum(axis=0)
            totq = totq + (a * a).sum(axis=0)

        @pl.when(i == 0)
        def _():
            st_ref[...] = jnp.zeros_like(st_ref)

        st_ref[0:1, :] += tot[None, :]
        st_ref[1:2, :] += totq[None, :]

    @pl.when(p == 1)
    def _():
        m = float(N * S)
        mean = st_ref[0, :] / m
        var = st_ref[1, :] / m - mean * mean
        scale = gamma_ref[0, :] * lax.rsqrt(var + 1e-5)
        shift = beta_ref[0, :] - mean * scale
        z = z_ref[pl.ds(i * BN, BN), :]
        base = jnp.dot(z[:, :IN], w1x_ref[...],
                       preferred_element_type=jnp.float32)
        w2 = w2_ref[...]
        for s in range(S):
            lo = IN + s * CD
            a = base + jnp.dot(z[:, lo:lo + CD], w1c_ref[...],
                               preferred_element_type=jnp.float32) \
                + b1_ref[0, :]
            h = jnp.maximum(a * scale + shift, 0.0)
            o = jnp.dot(h, w2, preferred_element_type=jnp.float32) \
                + b2_ref[0, :]
            out_ref[:, s * EMB:(s + 1) * EMB] = o


def kernel(x, edge_index, c, W1, b1, gamma1, beta1, W2, b2, eps):
    c2d_ = c.reshape(N, S * CD)
    zrowp = jnp.zeros((NPAD - N, HW), jnp.float32)
    feat_a = jnp.concatenate([x[:, :HW], zrowp], axis=0)
    feat_b = jnp.concatenate(
        [jnp.concatenate([x[:, HW:], c2d_], axis=1), zrowp], axis=0)
    pad = EPAD - E
    src2d = jnp.concatenate(
        [edge_index[0], jnp.full((pad,), N, jnp.int32)]).reshape(-1, CH)
    dst2d = jnp.concatenate(
        [edge_index[1], jnp.zeros((pad,), jnp.int32)]).reshape(-1, CH)
    zrows = jnp.zeros((RPT, HW), jnp.float32)

    partials = _sc_scatter(feat_a, feat_b, src2d, dst2d, zrows)
    c2d = c2d_

    eps2d = eps.reshape(1, 1)
    w1x = W1[:IN, :]
    w1c = W1[IN:, :]
    b1r = b1.reshape(1, HID)
    gammar = gamma1.reshape(1, HID)
    betar = beta1.reshape(1, HID)
    b2r = b2.reshape(1, EMB)

    blk = lambda p_, i_: (i_ * (1 - p_), 0)
    x_spec = pl.BlockSpec((BN, IN), blk)
    c_spec = pl.BlockSpec((BN, S * CD), blk)
    p0_spec = pl.BlockSpec((1, BN, HW), lambda p_, i_: (0, i_ * (1 - p_), 0))
    p1_spec = pl.BlockSpec((1, BN, HW), lambda p_, i_: (1, i_ * (1 - p_), 0))
    full = lambda shape: pl.BlockSpec(
        shape, lambda p_, i_: tuple(0 for _ in shape))

    out = pl.pallas_call(
        _mlp_body,
        grid=(2, GRID),
        in_specs=[
            x_spec, c_spec, p0_spec, p1_spec,
            full((1, 1)), full((IN, HID)), full((CD, HID)),
            full((1, HID)), full((1, HID)), full((1, HID)),
            full((HID, EMB)), full((1, EMB)),
        ],
        out_specs=pl.BlockSpec((BN, S * EMB),
                               lambda p_, i_: (i_ * p_, 0)),
        out_shape=jax.ShapeDtypeStruct((N, S * EMB), jnp.float32),
        scratch_shapes=[
            pltpu.VMEM((N, F), jnp.float32),
            pltpu.VMEM((8, HID), jnp.float32),
        ],
    )(x, c2d, partials, partials, eps2d, w1x, w1c, b1r, gammar, betar,
      W2, b2r)

    return out

# --- scband reference (transcript-rebuilt; emitter-appended) ---
"""Pipeline reference for scband-colour-cat-shared-ginconv-41094247088189 (READ-ONLY COPY).

The authoritative reference and input builder live on the scoring server;
editing this copy changes nothing except your own understanding.
"""

import jax, jax.numpy as jnp
import numpy as np

N = 10000
E = 320000
IN = 128
CD = 16
S = 4
EMB = 128
MULT = 2
HID = MULT * EMB  # 256
DIN = IN + CD     # 144


def setup_inputs(seed: int = 0) -> dict:
    key = jax.random.key(seed)
    k = jax.random.split(key, 8)
    x = jax.random.normal(k[0], (N, IN), dtype=jnp.float32)
    c = jax.random.normal(k[1], (N, S, CD), dtype=jnp.float32)
    edge_index = jax.random.randint(k[2], (2, E), 0, N, dtype=jnp.int32)
    W1 = jax.random.normal(k[3], (DIN, HID), dtype=jnp.float32) * (1.0 / np.sqrt(DIN))
    b1 = jnp.zeros((HID,), jnp.float32)
    gamma1 = jnp.ones((HID,), jnp.float32)
    beta1 = jnp.zeros((HID,), jnp.float32)
    W2 = jax.random.normal(k[4], (HID, EMB), dtype=jnp.float32) * (1.0 / np.sqrt(HID))
    b2 = jnp.zeros((EMB,), jnp.float32)
    eps = jnp.zeros((), jnp.float32)  # GIN train_eps, init 0
    return {"x": x, "edge_index": edge_index, "c": c, "W1": W1, "b1": b1,
            "gamma1": gamma1, "beta1": beta1, "W2": W2, "b2": b2, "eps": eps}


def reference(x, edge_index, c, W1, b1, gamma1, beta1, W2, b2, eps):
    # ColourCatter: broadcast x over colour samples, concat colours, flatten samples
    h = jnp.concatenate([jnp.broadcast_to(x[:, None, :], (N, S, IN)), c], axis=-1)
    h = h.reshape(N, S * DIN)
    # GINConv aggregation: sum messages from src (edge_index[0]) into dst (edge_index[1])
    src = edge_index[0]
    dst = edge_index[1]
    agg = jnp.zeros((N, S * DIN), dtype=h.dtype).at[dst].add(h[src])
    z = (1.0 + eps) * h + agg
    # SharedMLP: weights shared across the S colouring samples
    z = z.reshape(N * S, DIN)
    a = z @ W1 + b1
    mean = a.mean(axis=0)
    var = a.var(axis=0)
    a = (a - mean) / jnp.sqrt(var + 1e-5) * gamma1 + beta1  # BatchNorm (batch stats)
    a = jax.nn.relu(a)
    out = a @ W2 + b2
    return out.reshape(N, S * EMB)

if __name__ == "__main__":
    import jax
    _d = setup_inputs()
    print(jax.jit(kernel)(*tuple(_d.values())))

</pallas_src>

<mosaic_0001>
#map = affine_map<(d0, d1) -> (0, 0)>
#map1 = affine_map<(d0, d1) -> (0, 0, 0)>
module attributes {stable_mosaic.version = 14 : i64} {
  func.func @k(%arg0: i32, %arg1: i32, %arg2: memref<10112x96xf32, #tpu.memory_space<hbm>>, %arg3: memref<10112x96xf32, #tpu.memory_space<hbm>>, %arg4: memref<8064x40xi32, #tpu.memory_space<hbm>>, %arg5: memref<8064x40xi32, #tpu.memory_space<hbm>>, %arg6: memref<632x96xf32, #tpu.memory_space<hbm>>, %arg7: memref<2x10112x96xf32, #tpu.memory_space<hbm>>, %arg8: memref<40x96xf32, #tpu.memory_space<vmem>>, %arg9: memref<40x96xf32, #tpu.memory_space<vmem>>, %arg10: memref<10112x96xf32, #tpu.memory_space<vmem_shared>>, %arg11: memref<10112x96xf32, #tpu.memory_space<vmem_shared>>, %arg12: memref<!tpu.dma_semaphore, #tpu.memory_space<semaphore_mem>>, %arg13: memref<!tpu.dma_semaphore, #tpu.memory_space<semaphore_mem>>, %arg14: memref<!tpu.dma_semaphore, #tpu.memory_space<semaphore_mem>>, %arg15: memref<!tpu.dma_semaphore, #tpu.memory_space<semaphore_mem>>, %arg16: memref<40xi32, #tpu.memory_space<vmem>>, %arg17: memref<40xi32, #tpu.memory_space<vmem>>, %arg18: memref<40xi32, #tpu.memory_space<vmem>>, %arg19: memref<40xi32, #tpu.memory_space<vmem>>, %arg20: memref<40xi32, #tpu.memory_space<vmem>>, %arg21: memref<40xi32, #tpu.memory_space<vmem>>, %arg22: memref<40xi32, #tpu.memory_space<vmem>>, %arg23: memref<40xi32, #tpu.memory_space<vmem>>, %arg24: memref<40xi32, #tpu.memory_space<vmem>>, %arg25: memref<40xi32, #tpu.memory_space<vmem>>, %arg26: memref<40xi32, #tpu.memory_space<vmem>>, %arg27: memref<40xi32, #tpu.memory_space<vmem>>, %arg28: memref<40xi32, #tpu.memory_space<vmem>>, %arg29: memref<40xi32, #tpu.memory_space<vmem>>, %arg30: memref<40xi32, #tpu.memory_space<vmem>>, %arg31: memref<40xi32, #tpu.memory_space<vmem>>, %arg32: memref<!tpu.dma_semaphore, #tpu.memory_space<semaphore_mem>>, %arg33: memref<!tpu.dma_semaphore, #tpu.memory_space<semaphore_mem>>, %arg34: memref<!tpu.dma_semaphore, #tpu.memory_space<semaphore_mem>>, %arg35: memref<!tpu.dma_semaphore, #tpu.memory_space<semaphore_mem>>, %arg36: memref<!tpu.dma_semaphore, #tpu.memory_space<semaphore_mem>>, %arg37: memref<!tpu.dma_semaphore, #tpu.memory_space<semaphore_mem>>, %arg38: memref<!tpu.dma_semaphore, #tpu.memory_space<semaphore_mem>>, %arg39: memref<!tpu.dma_semaphore, #tpu.memory_space<semaphore_mem>>, %arg40: memref<!tpu.dma_semaphore, #tpu.memory_space<semaphore_mem>>, %arg41: memref<!tpu.dma_semaphore, #tpu.memory_space<semaphore_mem>>, %arg42: memref<!tpu.dma_semaphore, #tpu.memory_space<semaphore_mem>>, %arg43: memref<!tpu.dma_semaphore, #tpu.memory_space<semaphore_mem>>, %arg44: memref<!tpu.dma_semaphore, #tpu.memory_space<semaphore_mem>>, %arg45: memref<!tpu.dma_semaphore, #tpu.memory_space<semaphore_mem>>, %arg46: memref<!tpu.dma_semaphore, #tpu.memory_space<semaphore_mem>>, %arg47: memref<!tpu.dma_semaphore, #tpu.memory_space<semaphore_mem>>) attributes {dimension_semantics = [#tpu.dimension_semantics<core_parallel>, #tpu.dimension_semantics<subcore_parallel>], iteration_bounds = array<i64: 2, 16>, scalar_prefetch = 0 : i64, scratch_operands = 40 : i64, tpu.core_type = #tpu.core_type<sc_vector_subcore>, window_params = [{transform_indices = #map}, {transform_indices = #map}, {transform_indices = #map}, {transform_indices = #map}, {transform_indices = #map}, {transform_indices = #map1}]} {
    %mul3A = arith.constant 632 : i32
    %mul3A_0 = arith.muli %arg1, %mul3A : i32
    %mul3A_1 = arith.constant 504 : i32
    %mul3A_2 = arith.muli %arg1, %mul3A_1 : i32
    %eq3A = arith.constant 0 : i32
    %eq3A_3 = arith.cmpi eq, %arg0, %eq3A : i32
    %convert_element_type3A = arith.extui %eq3A_3 : i1 to i32
    %cond3A = arith.constant 0 : i32
    %cond3A_4 = arith.cmpi ne, %convert_element_type3A, %cond3A : i32
    scf.if %cond3A_4 {
      "tpu.region"() ({
        %run_scoped3A = tpu.sem_alloc : memref<!tpu.dma_semaphore, #tpu.memory_space<semaphore_mem>>
        %dma_start3A_115 = arith.constant 0 : i32
        %dma_start3A_116 = tpu.memref_slice %arg10[%mul3A_0, %dma_start3A_115] : memref<10112x96xf32, #tpu.memory_space<vmem_shared>> -> memref<632x96xf32, #tpu.memory_space<vmem_shared>>
        %dma_start3A_117 = arith.constant 0 : i32
        %dma_start3A_118 = tpu.memref_slice %arg2[%mul3A_0, %dma_start3A_117] : memref<10112x96xf32, #tpu.memory_space<hbm>> -> memref<632x96xf32, #tpu.memory_space<hbm>>
        tpu.enqueue_dma source(%dma_start3A_118 : memref<632x96xf32, #tpu.memory_space<hbm>>) target(%dma_start3A_116 : memref<632x96xf32, #tpu.memory_space<vmem_shared>>) target_semaphore(%run_scoped3A : memref<!tpu.dma_semaphore, #tpu.memory_space<semaphore_mem>>)
        %dma_wait3A_119 = arith.constant 0 : i32
        %dma_wait3A_120 = tpu.memref_slice %arg10[%mul3A_0, %dma_wait3A_119] : memref<10112x96xf32, #tpu.memory_space<vmem_shared>> -> memref<632x96xf32, #tpu.memory_space<vmem_shared>>
        %dma_wait3A_121 = arith.constant 0 : i32
        %dma_wait3A_122 = tpu.memref_slice %arg2[%mul3A_0, %dma_wait3A_121] : memref<10112x96xf32, #tpu.memory_space<hbm>> -> memref<632x96xf32, #tpu.memory_space<hbm>>
        tpu.wait_dma2 semaphore(%run_scoped3A : memref<!tpu.dma_semaphore, #tpu.memory_space<semaphore_mem>>) src(%dma_wait3A_122 : memref<632x96xf32, #tpu.memory_space<hbm>>) dst(%dma_wait3A_120 : memref<632x96xf32, #tpu.memory_space<vmem_shared>>)
        tpu.yield
      }) : () -> ()
    } else {
    }
    %eq3A_5 = arith.constant 1 : i32
    %eq3A_6 = arith.cmpi eq, %arg0, %eq3A_5 : i32
    %convert_element_type3A_7 = arith.extui %eq3A_6 : i1 to i32
    %cond3A_8 = arith.constant 0 : i32
    %cond3A_9 = arith.cmpi ne, %convert_element_type3A_7, %cond3A_8 : i32
    scf.if %cond3A_9 {
      "tpu.region"() ({
        %run_scoped3A = tpu.sem_alloc : memref<!tpu.dma_semaphore, #tpu.memory_space<semaphore_mem>>
        %dma_start3A_115 = arith.constant 0 : i32
        %dma_start3A_116 = tpu.memref_slice %arg10[%mul3A_0, %dma_start3A_115] : memref<10112x96xf32, #tpu.memory_space<vmem_shared>> -> memref<632x96xf32, #tpu.memory_space<vmem_shared>>
        %dma_start3A_117 = arith.constant 0 : i32
        %dma_start3A_118 = tpu.memref_slice %arg3[%mul3A_0, %dma_start3A_117] : memref<10112x96xf32, #tpu.memory_space<hbm>> -> memref<632x96xf32, #tpu.memory_space<hbm>>
        tpu.enqueue_dma source(%dma_start3A_118 : memref<632x96xf32, #tpu.memory_space<hbm>>) target(%dma_start3A_116 : memref<632x96xf32, #tpu.memory_space<vmem_shared>>) target_semaphore(%run_scoped3A : memref<!tpu.dma_semaphore, #tpu.memory_space<semaphore_mem>>)
        %dma_wait3A_119 = arith.constant 0 : i32
        %dma_wait3A_120 = tpu.memref_slice %arg10[%mul3A_0, %dma_wait3A_119] : memref<10112x96xf32, #tpu.memory_space<vmem_shared>> -> memref<632x96xf32, #tpu.memory_space<vmem_shared>>
        %dma_wait3A_121 = arith.constant 0 : i32
        %dma_wait3A_122 = tpu.memref_slice %arg3[%mul3A_0, %dma_wait3A_121] : memref<10112x96xf32, #tpu.memory_space<hbm>> -> memref<632x96xf32, #tpu.memory_space<hbm>>
        tpu.wait_dma2 semaphore(%run_scoped3A : memref<!tpu.dma_semaphore, #tpu.memory_space<semaphore_mem>>) src(%dma_wait3A_122 : memref<632x96xf32, #tpu.memory_space<hbm>>) dst(%dma_wait3A_120 : memref<632x96xf32, #tpu.memory_space<vmem_shared>>)
        tpu.yield
      }) : () -> ()
    } else {
    }
    "tpu.region"() ({
      %run_scoped3A = tpu.sem_alloc : memref<!tpu.dma_semaphore, #tpu.memory_space<semaphore_mem>>
      %dma_start3A_115 = arith.constant 0 : i32
      %dma_start3A_116 = tpu.memref_slice %arg11[%mul3A_0, %dma_start3A_115] : memref<10112x96xf32, #tpu.memory_space<vmem_shared>> -> memref<632x96xf32, #tpu.memory_space<vmem_shared>>
      tpu.enqueue_dma source(%arg6 : memref<632x96xf32, #tpu.memory_space<hbm>>) target(%dma_start3A_116 : memref<632x96xf32, #tpu.memory_space<vmem_shared>>) target_semaphore(%run_scoped3A : memref<!tpu.dma_semaphore, #tpu.memory_space<semaphore_mem>>)
      %dma_wait3A_117 = arith.constant 0 : i32
      %dma_wait3A_118 = tpu.memref_slice %arg11[%mul3A_0, %dma_wait3A_117] : memref<10112x96xf32, #tpu.memory_space<vmem_shared>> -> memref<632x96xf32, #tpu.memory_space<vmem_shared>>
      tpu.wait_dma2 semaphore(%run_scoped3A : memref<!tpu.dma_semaphore, #tpu.memory_space<semaphore_mem>>) src(%arg6 : memref<632x96xf32, #tpu.memory_space<hbm>>) dst(%dma_wait3A_118 : memref<632x96xf32, #tpu.memory_space<vmem_shared>>)
      tpu.yield
    }) : () -> ()
    %add3A = arith.constant 0 : i32
    %add3A_10 = arith.addi %mul3A_2, %add3A : i32
    %dma_start3A = arith.constant 0 : i32
    %dma_start3A_11 = tpu.memref_slice %arg4[%add3A_10, %dma_start3A] : memref<8064x40xi32, #tpu.memory_space<hbm>> -> memref<1x40xi32, #tpu.memory_space<hbm>>
    %dma_start3A_12 = tpu.memref_squeeze %dma_start3A_11 : memref<1x40xi32, #tpu.memory_space<hbm>> -> memref<40xi32, #tpu.memory_space<hbm>>
    %dma_start3A_13 = arith.constant 0 : i32
    %dma_start3A_14 = tpu.memref_slice %arg4[%add3A_10, %dma_start3A_13] : memref<8064x40xi32, #tpu.memory_space<hbm>> -> memref<1x40xi32, #tpu.memory_space<hbm>>
    %dma_start3A_15 = tpu.memref_squeeze %dma_start3A_14 : memref<1x40xi32, #tpu.memory_space<hbm>> -> memref<40xi32, #tpu.memory_space<hbm>>
    tpu.enqueue_dma source(%dma_start3A_15 : memref<40xi32, #tpu.memory_space<hbm>>) target(%arg16 : memref<40xi32, #tpu.memory_space<vmem>>) target_semaphore(%arg32 : memref<!tpu.dma_semaphore, #tpu.memory_space<semaphore_mem>>)
    %add3A_16 = arith.constant 0 : i32
    %add3A_17 = arith.addi %mul3A_2, %add3A_16 : i32
    %dma_start3A_18 = arith.constant 0 : i32
    %dma_start3A_19 = tpu.memref_slice %arg5[%add3A_17, %dma_start3A_18] : memref<8064x40xi32, #tpu.memory_space<hbm>> -> memref<1x40xi32, #tpu.memory_space<hbm>>
    %dma_start3A_20 = tpu.memref_squeeze %dma_start3A_19 : memref<1x40xi32, #tpu.memory_space<hbm>> -> memref<40xi32, #tpu.memory_space<hbm>>
    %dma_start3A_21 = arith.constant 0 : i32
    %dma_start3A_22 = tpu.memref_slice %arg5[%add3A_17, %dma_start3A_21] : memref<8064x40xi32, #tpu.memory_space<hbm>> -> memref<1x40xi32, #tpu.memory_space<hbm>>
    %dma_start3A_23 = tpu.memref_squeeze %dma_start3A_22 : memref<1x40xi32, #tpu.memory_space<hbm>> -> memref<40xi32, #tpu.memory_space<hbm>>
    tpu.enqueue_dma source(%dma_start3A_23 : memref<40xi32, #tpu.memory_space<hbm>>) target(%arg24 : memref<40xi32, #tpu.memory_space<vmem>>) target_semaphore(%arg40 : memref<!tpu.dma_semaphore, #tpu.memory_space<semaphore_mem>>)
    %add3A_24 = arith.constant 1 : i32
    %add3A_25 = arith.addi %mul3A_2, %add3A_24 : i32
    %dma_start3A_26 = arith.constant 0 : i32
    %dma_start3A_27 = tpu.memref_slice %arg4[%add3A_25, %dma_start3A_26] : memref<8064x40xi32, #tpu.memory_space<hbm>> -> memref<1x40xi32, #tpu.memory_space<hbm>>
    %dma_start3A_28 = tpu.memref_squeeze %dma_start3A_27 : memref<1x40xi32, #tpu.memory_space<hbm>> -> memref<40xi32, #tpu.memory_space<hbm>>
    %dma_start3A_29 = arith.constant 0 : i32
    %dma_start3A_30 = tpu.memref_slice %arg4[%add3A_25, %dma_start3A_29] : memref<8064x40xi32, #tpu.memory_space<hbm>> -> memref<1x40xi32, #tpu.memory_space<hbm>>
    %dma_start3A_31 = tpu.memref_squeeze %dma_start3A_30 : memref<1x40xi32, #tpu.memory_space<hbm>> -> memref<40xi32, #tpu.memory_space<hbm>>
    tpu.enqueue_dma source(%dma_start3A_31 : memref<40xi32, #tpu.memory_space<hbm>>) target(%arg17 : memref<40xi32, #tpu.memory_space<vmem>>) target_semaphore(%arg33 : memref<!tpu.dma_semaphore, #tpu.memory_space<semaphore_mem>>)
    %add3A_32 = arith.constant 1 : i32
    %add3A_33 = arith.addi %mul3A_2, %add3A_32 : i32
    %dma_start3A_34 = arith.constant 0 : i32
    %dma_start3A_35 = tpu.memref_slice %arg5[%add3A_33, %dma_start3A_34] : memref<8064x40xi32, #tpu.memory_space<hbm>> -> memref<1x40xi32, #tpu.memory_space<hbm>>
    %dma_start3A_36 = tpu.memref_squeeze %dma_start3A_35 : memref<1x40xi32, #tpu.memory_space<hbm>> -> memref<40xi32, #tpu.memory_space<hbm>>
    %dma_start3A_37 = arith.constant 0 : i32
    %dma_start3A_38 = tpu.memref_slice %arg5[%add3A_33, %dma_start3A_37] : memref<8064x40xi32, #tpu.memory_space<hbm>> -> memref<1x40xi32, #tpu.memory_space<hbm>>
    %dma_start3A_39 = tpu.memref_squeeze %dma_start3A_38 : memref<1x40xi32, #tpu.memory_space<hbm>> -> memref<40xi32, #tpu.memory_space<hbm>>
    tpu.enqueue_dma source(%dma_start3A_39 : memref<40xi32, #tpu.memory_space<hbm>>) target(%arg25 : memref<40xi32, #tpu.memory_space<vmem>>) target_semaphore(%arg41 : memref<!tpu.dma_semaphore, #tpu.memory_space<semaphore_mem>>)
    %add3A_40 = arith.constant 2 : i32
    %add3A_41 = arith.addi %mul3A_2, %add3A_40 : i32
    %dma_start3A_42 = arith.constant 0 : i32
    %dma_start3A_43 = tpu.memref_slice %arg4[%add3A_41, %dma_start3A_42] : memref<8064x40xi32, #tpu.memory_space<hbm>> -> memref<1x40xi32, #tpu.memory_space<hbm>>
    %dma_start3A_44 = tpu.memref_squeeze %dma_start3A_43 : memref<1x40xi32, #tpu.memory_space<hbm>> -> memref<40xi32, #tpu.memory_space<hbm>>
    %dma_start3A_45 = arith.constant 0 : i32
    %dma_start3A_46 = tpu.memref_slice %arg4[%add3A_41, %dma_start3A_45] : memref<8064x40xi32, #tpu.memory_space<hbm>> -> memref<1x40xi32, #tpu.memory_space<hbm>>
    %dma_start3A_47 = tpu.memref_squeeze %dma_start3A_46 : memref<1x40xi32, #tpu.memory_space<hbm>> -> memref<40xi32, #tpu.memory_space<hbm>>
    tpu.enqueue_dma source(%dma_start3A_47 : memref<40xi32, #tpu.memory_space<hbm>>) target(%arg18 : memref<40xi32, #tpu.memory_space<vmem>>) target_semaphore(%arg34 : memref<!tpu.dma_semaphore, #tpu.memory_space<semaphore_mem>>)
    %add3A_48 = arith.constant 2 : i32
    %add3A_49 = arith.addi %mul3A_2, %add3A_48 : i32
    %dma_start3A_50 = arith.constant 0 : i32
    %dma_start3A_51 = tpu.memref_slice %arg5[%add3A_49, %dma_start3A_50] : memref<8064x40xi32, #tpu.memory_space<hbm>> -> memref<1x40xi32, #tpu.memory_space<hbm>>
    %dma_start3A_52 = tpu.memref_squeeze %dma_start3A_51 : memref<1x40xi32, #tpu.memory_space<hbm>> -> memref<40xi32, #tpu.memory_space<hbm>>
    %dma_start3A_53 = arith.constant 0 : i32
    %dma_start3A_54 = tpu.memref_slice %arg5[%add3A_49, %dma_start3A_53] : memref<8064x40xi32, #tpu.memory_space<hbm>> -> memref<1x40xi32, #tpu.memory_space<hbm>>
    %dma_start3A_55 = tpu.memref_squeeze %dma_start3A_54 : memref<1x40xi32, #tpu.memory_space<hbm>> -> memref<40xi32, #tpu.memory_space<hbm>>
    tpu.enqueue_dma source(%dma_start3A_55 : memref<40xi32, #tpu.memory_space<hbm>>) target(%arg26 : memref<40xi32, #tpu.memory_space<vmem>>) target_semaphore(%arg42 : memref<!tpu.dma_semaphore, #tpu.memory_space<semaphore_mem>>)
    %add3A_56 = arith.constant 3 : i32
    %add3A_57 = arith.addi %mul3A_2, %add3A_56 : i32
    %dma_start3A_58 = arith.constant 0 : i32
    %dma_start3A_59 = tpu.memref_slice %arg4[%add3A_57, %dma_start3A_58] : memref<8064x40xi32, #tpu.memory_space<hbm>> -> memref<1x40xi32, #tpu.memory_space<hbm>>
    %dma_start3A_60 = tpu.memref_squeeze %dma_start3A_59 : memref<1x40xi32, #tpu.memory_space<hbm>> -> memref<40xi32, #tpu.memory_space<hbm>>
    %dma_start3A_61 = arith.constant 0 : i32
    %dma_start3A_62 = tpu.memref_slice %arg4[%add3A_57, %dma_start3A_61] : memref<8064x40xi32, #tpu.memory_space<hbm>> -> memref<1x40xi32, #tpu.memory_space<hbm>>
    %dma_start3A_63 = tpu.memref_squeeze %dma_start3A_62 : memref<1x40xi32, #tpu.memory_space<hbm>> -> memref<40xi32, #tpu.memory_space<hbm>>
    tpu.enqueue_dma source(%dma_start3A_63 : memref<40xi32, #tpu.memory_space<hbm>>) target(%arg19 : memref<40xi32, #tpu.memory_space<vmem>>) target_semaphore(%arg35 : memref<!tpu.dma_semaphore, #tpu.memory_space<semaphore_mem>>)
    %add3A_64 = arith.constant 3 : i32
    %add3A_65 = arith.addi %mul3A_2, %add3A_64 : i32
    %dma_start3A_66 = arith.constant 0 : i32
    %dma_start3A_67 = tpu.memref_slice %arg5[%add3A_65, %dma_start3A_66] : memref<8064x40xi32, #tpu.memory_space<hbm>> -> memref<1x40xi32, #tpu.memory_space<hbm>>
    %dma_start3A_68 = tpu.memref_squeeze %dma_start3A_67 : memref<1x40xi32, #tpu.memory_space<hbm>> -> memref<40xi32, #tpu.memory_space<hbm>>
    %dma_start3A_69 = arith.constant 0 : i32
    %dma_start3A_70 = tpu.memref_slice %arg5[%add3A_65, %dma_start3A_69] : memref<8064x40xi32, #tpu.memory_space<hbm>> -> memref<1x40xi32, #tpu.memory_space<hbm>>
    %dma_start3A_71 = tpu.memref_squeeze %dma_start3A_70 : memref<1x40xi32, #tpu.memory_space<hbm>> -> memref<40xi32, #tpu.memory_space<hbm>>
    tpu.enqueue_dma source(%dma_start3A_71 : memref<40xi32, #tpu.memory_space<hbm>>) target(%arg27 : memref<40xi32, #tpu.memory_space<vmem>>) target_semaphore(%arg43 : memref<!tpu.dma_semaphore, #tpu.memory_space<semaphore_mem>>)
    %add3A_72 = arith.constant 4 : i32
    %add3A_73 = arith.addi %mul3A_2, %add3A_72 : i32
    %dma_start3A_74 = arith.constant 0 : i32
    %dma_start3A_75 = tpu.memref_slice %arg4[%add3A_73, %dma_start3A_74] : memref<8064x40xi32, #tpu.memory_space<hbm>> -> memref<1x40xi32, #tpu.memory_space<hbm>>
    %dma_start3A_76 = tpu.memref_squeeze %dma_start3A_75 : memref<1x40xi32, #tpu.memory_space<hbm>> -> memref<40xi32, #tpu.memory_space<hbm>>
    %dma_start3A_77 = arith.constant 0 : i32
    %dma_start3A_78 = tpu.memref_slice %arg4[%add3A_73, %dma_start3A_77] : memref<8064x40xi32, #tpu.memory_space<hbm>> -> memref<1x40xi32, #tpu.memory_space<hbm>>
    %dma_start3A_79 = tpu.memref_squeeze %dma_start3A_78 : memref<1x40xi32, #tpu.memory_space<hbm>> -> memref<40xi32, #tpu.memory_space<hbm>>
    tpu.enqueue_dma source(%dma_start3A_79 : memref<40xi32, #tpu.memory_space<hbm>>) target(%arg20 : memref<40xi32, #tpu.memory_space<vmem>>) target_semaphore(%arg36 : memref<!tpu.dma_semaphore, #tpu.memory_space<semaphore_mem>>)
    %add3A_80 = arith.constant 4 : i32
    %add3A_81 = arith.addi %mul3A_2, %add3A_80 : i32
    %dma_start3A_82 = arith.constant 0 : i32
    %dma_start3A_83 = tpu.memref_slice %arg5[%add3A_81, %dma_start3A_82] : memref<8064x40xi32, #tpu.memory_space<hbm>> -> memref<1x40xi32, #tpu.memory_space<hbm>>
    %dma_start3A_84 = tpu.memref_squeeze %dma_start3A_83 : memref<1x40xi32, #tpu.memory_space<hbm>> -> memref<40xi32, #tpu.memory_space<hbm>>
    %dma_start3A_85 = arith.constant 0 : i32
    %dma_start3A_86 = tpu.memref_slice %arg5[%add3A_81, %dma_start3A_85] : memref<8064x40xi32, #tpu.memory_space<hbm>> -> memref<1x40xi32, #tpu.memory_space<hbm>>
    %dma_start3A_87 = tpu.memref_squeeze %dma_start3A_86 : memref<1x40xi32, #tpu.memory_space<hbm>> -> memref<40xi32, #tpu.memory_space<hbm>>
    tpu.enqueue_dma source(%dma_start3A_87 : memref<40xi32, #tpu.memory_space<hbm>>) target(%arg28 : memref<40xi32, #tpu.memory_space<vmem>>) target_semaphore(%arg44 : memref<!tpu.dma_semaphore, #tpu.memory_space<semaphore_mem>>)
    %add3A_88 = arith.constant 5 : i32
    %add3A_89 = arith.addi %mul3A_2, %add3A_88 : i32
    %dma_start3A_90 = arith.constant 0 : i32
    %dma_start3A_91 = tpu.memref_slice %arg4[%add3A_89, %dma_start3A_90] : memref<8064x40xi32, #tpu.memory_space<hbm>> -> memref<1x40xi32, #tpu.memory_space<hbm>>
    %dma_start3A_92 = tpu.memref_squeeze %dma_start3A_91 : memref<1x40xi32, #tpu.memory_space<hbm>> -> memref<40xi32, #tpu.memory_space<hbm>>
    %dma_start3A_93 = arith.constant 0 : i32
    %dma_start3A_94 = tpu.memref_slice %arg4[%add3A_89, %dma_start3A_93] : memref<8064x40xi32, #tpu.memory_space<hbm>> -> memref<1x40xi32, #tpu.memory_space<hbm>>
    %dma_start3A_95 = tpu.memref_squeeze %dma_start3A_94 : memref<1x40xi32, #tpu.memory_space<hbm>> -> memref<40xi32, #tpu.memory_space<hbm>>
    tpu.enqueue_dma source(%dma_start3A_95 : memref<40xi32, #tpu.memory_space<hbm>>) target(%arg21 : memref<40xi32, #tpu.memory_space<vmem>>) target_semaphore(%arg37 : memref<!tpu.dma_semaphore, #tpu.memory_space<semaphore_mem>>)
    %add3A_96 = arith.constant 5 : i32
    %add3A_97 = arith.addi %mul3A_2, %add3A_96 : i32
    %dma_start3A_98 = arith.constant 0 : i32
    %dma_start3A_99 = tpu.memref_slice %arg5[%add3A_97, %dma_start3A_98] : memref<8064x40xi32, #tpu.memory_space<hbm>> -> memref<1x40xi32, #tpu.memory_space<hbm>>
    %dma_start3A_100 = tpu.memref_squeeze %dma_start3A_99 : memref<1x40xi32, #tpu.memory_space<hbm>> -> memref<40xi32, #tpu.memory_space<hbm>>
    %dma_start3A_101 = arith.constant 0 : i32
    %dma_start3A_102 = tpu.memref_slice %arg5[%add3A_97, %dma_start3A_101] : memref<8064x40xi32, #tpu.memory_space<hbm>> -> memref<1x40xi32, #tpu.memory_space<hbm>>
    %dma_start3A_103 = tpu.memref_squeeze %dma_start3A_102 : memref<1x40xi32, #tpu.memory_space<hbm>> -> memref<40xi32, #tpu.memory_space<hbm>>
    tpu.enqueue_dma source(%dma_start3A_103 : memref<40xi32, #tpu.memory_space<hbm>>) target(%arg29 : memref<40xi32, #tpu.memory_space<vmem>>) target_semaphore(%arg45 : memref<!tpu.dma_semaphore, #tpu.memory_space<semaphore_mem>>)
    %barrier3A = arith.constant 0 : index
    tpu.barrier barrier_id(%barrier3A)
    %scan3A = arith.constant 0 : i32
    %scan3A_104 = arith.constant 0 : i32
    %scan3A_105 = arith.constant 63 : i32
    %scan3A_106 = arith.addi %scan3A_104, %scan3A_105 : i32
    %scan3A_107 = arith.constant 1 : i32
    scf.for %scan3A_115 = %scan3A_104 to %scan3A_106 step %scan3A_107  : i32 {
      %mul3A_116 = arith.constant 8 : i32
      %mul3A_117 = arith.muli %scan3A_115, %mul3A_116 : i32
      %add3A_118 = arith.constant 0 : i32
      %add3A_119 = arith.addi %mul3A_117, %add3A_118 : i32
      %dma_wait3A_120 = arith.constant 0 : i32
      %dma_wait3A_121 = tpu.memref_slice %arg4[%mul3A_2, %dma_wait3A_120] : memref<8064x40xi32, #tpu.memory_space<hbm>> -> memref<1x40xi32, #tpu.memory_space<hbm>>
      %dma_wait3A_122 = tpu.memref_squeeze %dma_wait3A_121 : memref<1x40xi32, #tpu.memory_space<hbm>> -> memref<40xi32, #tpu.memory_space<hbm>>
      %dma_wait3A_123 = arith.constant 0 : i32
      %dma_wait3A_124 = tpu.memref_slice %arg4[%mul3A_2, %dma_wait3A_123] : memref<8064x40xi32, #tpu.memory_space<hbm>> -> memref<1x40xi32, #tpu.memory_space<hbm>>
      %dma_wait3A_125 = tpu.memref_squeeze %dma_wait3A_124 : memref<1x40xi32, #tpu.memory_space<hbm>> -> memref<40xi32, #tpu.memory_space<hbm>>
      tpu.wait_dma2 semaphore(%arg32 : memref<!tpu.dma_semaphore, #tpu.memory_space<semaphore_mem>>) src(%dma_wait3A_125 : memref<40xi32, #tpu.memory_space<hbm>>) dst(%arg16 : memref<40xi32, #tpu.memory_space<vmem>>)
      %dma_wait3A_126 = arith.constant 0 : i32
      %dma_wait3A_127 = tpu.memref_slice %arg5[%mul3A_2, %dma_wait3A_126] : memref<8064x40xi32, #tpu.memory_space<hbm>> -> memref<1x40xi32, #tpu.memory_space<hbm>>
      %dma_wait3A_128 = tpu.memref_squeeze %dma_wait3A_127 : memref<1x40xi32, #tpu.memory_space<hbm>> -> memref<40xi32, #tpu.memory_space<hbm>>
      %dma_wait3A_129 = arith.constant 0 : i32
      %dma_wait3A_130 = tpu.memref_slice %arg5[%mul3A_2, %dma_wait3A_129] : memref<8064x40xi32, #tpu.memory_space<hbm>> -> memref<1x40xi32, #tpu.memory_space<hbm>>
      %dma_wait3A_131 = tpu.memref_squeeze %dma_wait3A_130 : memref<1x40xi32, #tpu.memory_space<hbm>> -> memref<40xi32, #tpu.memory_space<hbm>>
      tpu.wait_dma2 semaphore(%arg40 : memref<!tpu.dma_semaphore, #tpu.memory_space<semaphore_mem>>) src(%dma_wait3A_131 : memref<40xi32, #tpu.memory_space<hbm>>) dst(%arg24 : memref<40xi32, #tpu.memory_space<vmem>>)
      %ge3A = arith.constant 2 : i32
      %ge3A_132 = arith.cmpi sge, %add3A_119, %ge3A : i32
      %convert_element_type3A_133 = arith.extui %ge3A_132 : i1 to i32
      %cond3A_134 = arith.constant 0 : i32
      %cond3A_135 = arith.cmpi ne, %convert_element_type3A_133, %cond3A_134 : i32
      scf.if %cond3A_135 {
        %dma_wait3A_410 = arith.constant 0 : i32
        %dma_wait3A_411 = arith.constant 0 : i32
        %dma_wait3A_412 = tpu.memref_slice %arg11[%dma_wait3A_410, %dma_wait3A_411] : memref<10112x96xf32, #tpu.memory_space<vmem_shared>> -> memref<10112x96xf32, #tpu.memory_space<vmem_shared>>
        tpu.wait_indirect_dma semaphore(%arg14 : memref<!tpu.dma_semaphore, #tpu.memory_space<semaphore_mem>>) src(%arg8 : memref<40x96xf32, #tpu.memory_space<vmem>>) dst(%dma_wait3A_412 : memref<10112x96xf32, #tpu.memory_space<vmem_shared>>)
      } else {
      }
      %dma_start3A_136 = arith.constant 0 : i32
      %dma_start3A_137 = arith.constant 0 : i32
      %dma_start3A_138 = tpu.memref_slice %arg10[%dma_start3A_136, %dma_start3A_137] : memref<10112x96xf32, #tpu.memory_space<vmem_shared>> -> memref<10112x96xf32, #tpu.memory_space<vmem_shared>>
      tpu.enqueue_indirect_dma source(%dma_start3A_138 : memref<10112x96xf32, #tpu.memory_space<vmem_shared>>) target(%arg8 : memref<40x96xf32, #tpu.memory_space<vmem>>) offsets(%arg16 : memref<40xi32, #tpu.memory_space<vmem>>) semaphore(%arg12 : memref<!tpu.dma_semaphore, #tpu.memory_space<semaphore_mem>>)
      %dma_wait3A_139 = arith.constant 0 : i32
      %dma_wait3A_140 = arith.constant 0 : i32
      %dma_wait3A_141 = tpu.memref_slice %arg10[%dma_wait3A_139, %dma_wait3A_140] : memref<10112x96xf32, #tpu.memory_space<vmem_shared>> -> memref<10112x96xf32, #tpu.memory_space<vmem_shared>>
      tpu.wait_indirect_dma semaphore(%arg12 : memref<!tpu.dma_semaphore, #tpu.memory_space<semaphore_mem>>) src(%dma_wait3A_141 : memref<10112x96xf32, #tpu.memory_space<vmem_shared>>) dst(%arg8 : memref<40x96xf32, #tpu.memory_space<vmem>>)
      %dma_start3A_142 = arith.constant 0 : i32
      %dma_start3A_143 = arith.constant 0 : i32
      %dma_start3A_144 = tpu.memref_slice %arg11[%dma_start3A_142, %dma_start3A_143] : memref<10112x96xf32, #tpu.memory_space<vmem_shared>> -> memref<10112x96xf32, #tpu.memory_space<vmem_shared>>
      tpu.enqueue_indirect_dma source(%arg8 : memref<40x96xf32, #tpu.memory_space<vmem>>) target(%dma_start3A_144 : memref<10112x96xf32, #tpu.memory_space<vmem_shared>>) offsets(%arg24 : memref<40xi32, #tpu.memory_space<vmem>>) semaphore(%arg14 : memref<!tpu.dma_semaphore, #tpu.memory_space<semaphore_mem>>) {add = true}
      %add3A_145 = arith.constant 6 : i32
      %add3A_146 = arith.addi %add3A_119, %add3A_145 : i32
      %lt3A = arith.constant 504 : i32
      %lt3A_147 = arith.cmpi slt, %add3A_146, %lt3A : i32
      %convert_element_type3A_148 = arith.extui %lt3A_147 : i1 to i32
      %cond3A_149 = arith.constant 0 : i32
      %cond3A_150 = arith.cmpi ne, %convert_element_type3A_148, %cond3A_149 : i32
      scf.if %cond3A_150 {
        %add3A_410 = arith.addi %mul3A_2, %add3A_119 : i32
        %add3A_411 = arith.constant 6 : i32
        %add3A_412 = arith.addi %add3A_410, %add3A_411 : i32
        %dma_start3A_413 = arith.constant 0 : i32
        %dma_start3A_414 = tpu.memref_slice %arg4[%add3A_412, %dma_start3A_413] : memref<8064x40xi32, #tpu.memory_space<hbm>> -> memref<1x40xi32, #tpu.memory_space<hbm>>
        %dma_start3A_415 = tpu.memref_squeeze %dma_start3A_414 : memref<1x40xi32, #tpu.memory_space<hbm>> -> memref<40xi32, #tpu.memory_space<hbm>>
        %dma_start3A_416 = arith.constant 0 : i32
        %dma_start3A_417 = tpu.memref_slice %arg4[%add3A_412, %dma_start3A_416] : memref<8064x40xi32, #tpu.memory_space<hbm>> -> memref<1x40xi32, #tpu.memory_space<hbm>>
        %dma_start3A_418 = tpu.memref_squeeze %dma_start3A_417 : memref<1x40xi32, #tpu.memory_space<hbm>> -> memref<40xi32, #tpu.memory_space<hbm>>
        tpu.enqueue_dma source(%dma_start3A_418 : memref<40xi32, #tpu.memory_space<hbm>>) target(%arg22 : memref<40xi32, #tpu.memory_space<vmem>>) target_semaphore(%arg38 : memref<!tpu.dma_semaphore, #tpu.memory_space<semaphore_mem>>)
        %add3A_419 = arith.addi %mul3A_2, %add3A_119 : i32
        %add3A_420 = arith.constant 6 : i32
        %add3A_421 = arith.addi %add3A_419, %add3A_420 : i32
        %dma_start3A_422 = arith.constant 0 : i32
        %dma_start3A_423 = tpu.memref_slice %arg5[%add3A_421, %dma_start3A_422] : memref<8064x40xi32, #tpu.memory_space<hbm>> -> memref<1x40xi32, #tpu.memory_space<hbm>>
        %dma_start3A_424 = tpu.memref_squeeze %dma_start3A_423 : memref<1x40xi32, #tpu.memory_space<hbm>> -> memref<40xi32, #tpu.memory_space<hbm>>
        %dma_start3A_425 = arith.constant 0 : i32
        %dma_start3A_426 = tpu.memref_slice %arg5[%add3A_421, %dma_start3A_425] : memref<8064x40xi32, #tpu.memory_space<hbm>> -> memref<1x40xi32, #tpu.memory_space<hbm>>
        %dma_start3A_427 = tpu.memref_squeeze %dma_start3A_426 : memref<1x40xi32, #tpu.memory_space<hbm>> -> memref<40xi32, #tpu.memory_space<hbm>>
        tpu.enqueue_dma source(%dma_start3A_427 : memref<40xi32, #tpu.memory_space<hbm>>) target(%arg30 : memref<40xi32, #tpu.memory_space<vmem>>) target_semaphore(%arg46 : memref<!tpu.dma_semaphore, #tpu.memory_space<semaphore_mem>>)
      } else {
      }
      %mul3A_151 = arith.constant 8 : i32
      %mul3A_152 = arith.muli %scan3A_115, %mul3A_151 : i32
      %add3A_153 = arith.constant 1 : i32
      %add3A_154 = arith.addi %mul3A_152, %add3A_153 : i32
      %dma_wait3A_155 = arith.constant 0 : i32
      %dma_wait3A_156 = tpu.memref_slice %arg4[%mul3A_2, %dma_wait3A_155] : memref<8064x40xi32, #tpu.memory_space<hbm>> -> memref<1x40xi32, #tpu.memory_space<hbm>>
      %dma_wait3A_157 = tpu.memref_squeeze %dma_wait3A_156 : memref<1x40xi32, #tpu.memory_space<hbm>> -> memref<40xi32, #tpu.memory_space<hbm>>
      %dma_wait3A_158 = arith.constant 0 : i32
      %dma_wait3A_159 = tpu.memref_slice %arg4[%mul3A_2, %dma_wait3A_158] : memref<8064x40xi32, #tpu.memory_space<hbm>> -> memref<1x40xi32, #tpu.memory_space<hbm>>
      %dma_wait3A_160 = tpu.memref_squeeze %dma_wait3A_159 : memref<1x40xi32, #tpu.memory_space<hbm>> -> memref<40xi32, #tpu.memory_space<hbm>>
      tpu.wait_dma2 semaphore(%arg33 : memref<!tpu.dma_semaphore, #tpu.memory_space<semaphore_mem>>) src(%dma_wait3A_160 : memref<40xi32, #tpu.memory_space<hbm>>) dst(%arg17 : memref<40xi32, #tpu.memory_space<vmem>>)
      %dma_wait3A_161 = arith.constant 0 : i32
      %dma_wait3A_162 = tpu.memref_slice %arg5[%mul3A_2, %dma_wait3A_161] : memref<8064x40xi32, #tpu.memory_space<hbm>> -> memref<1x40xi32, #tpu.memory_space<hbm>>
      %dma_wait3A_163 = tpu.memref_squeeze %dma_wait3A_162 : memref<1x40xi32, #tpu.memory_space<hbm>> -> memref<40xi32, #tpu.memory_space<hbm>>
      %dma_wait3A_164 = arith.constant 0 : i32
      %dma_wait3A_165 = tpu.memref_slice %arg5[%mul3A_2, %dma_wait3A_164] : memref<8064x40xi32, #tpu.memory_space<hbm>> -> memref<1x40xi32, #tpu.memory_space<hbm>>
      %dma_wait3A_166 = tpu.memref_squeeze %dma_wait3A_165 : memref<1x40xi32, #tpu.memory_space<hbm>> -> memref<40xi32, #tpu.memory_space<hbm>>
      tpu.wait_dma2 semaphore(%arg41 : memref<!tpu.dma_semaphore, #tpu.memory_space<semaphore_mem>>) src(%dma_wait3A_166 : memref<40xi32, #tpu.memory_space<hbm>>) dst(%arg25 : memref<40xi32, #tpu.memory_space<vmem>>)
      %ge3A_167 = arith.constant 2 : i32
      %ge3A_168 = arith.cmpi sge, %add3A_154, %ge3A_167 : i32
      %convert_element_type3A_169 = arith.extui %ge3A_168 : i1 to i32
      %cond3A_170 = arith.constant 0 : i32
      %cond3A_171 = arith.cmpi ne, %convert_element_type3A_169, %cond3A_170 : i32
      scf.if %cond3A_171 {
        %dma_wait3A_410 = arith.constant 0 : i32
        %dma_wait3A_411 = arith.constant 0 : i32
        %dma_wait3A_412 = tpu.memref_slice %arg11[%dma_wait3A_410, %dma_wait3A_411] : memref<10112x96xf32, #tpu.memory_space<vmem_shared>> -> memref<10112x96xf32, #tpu.memory_space<vmem_shared>>
        tpu.wait_indirect_dma semaphore(%arg15 : memref<!tpu.dma_semaphore, #tpu.memory_space<semaphore_mem>>) src(%arg9 : memref<40x96xf32, #tpu.memory_space<vmem>>) dst(%dma_wait3A_412 : memref<10112x96xf32, #tpu.memory_space<vmem_shared>>)
      } else {
      }
      %dma_start3A_172 = arith.constant 0 : i32
      %dma_start3A_173 = arith.constant 0 : i32
      %dma_start3A_174 = tpu.memref_slice %arg10[%dma_start3A_172, %dma_start3A_173] : memref<10112x96xf32, #tpu.memory_space<vmem_shared>> -> memref<10112x96xf32, #tpu.memory_space<vmem_shared>>
      tpu.enqueue_indirect_dma source(%dma_start3A_174 : memref<10112x96xf32, #tpu.memory_space<vmem_shared>>) target(%arg9 : memref<40x96xf32, #tpu.memory_space<vmem>>) offsets(%arg17 : memref<40xi32, #tpu.memory_space<vmem>>) semaphore(%arg13 : memref<!tpu.dma_semaphore, #tpu.memory_space<semaphore_mem>>)
      %dma_wait3A_175 = arith.constant 0 : i32
      %dma_wait3A_176 = arith.constant 0 : i32
      %dma_wait3A_177 = tpu.memref_slice %arg10[%dma_wait3A_175, %dma_wait3A_176] : memref<10112x96xf32, #tpu.memory_space<vmem_shared>> -> memref<10112x96xf32, #tpu.memory_space<vmem_shared>>
      tpu.wait_indirect_dma semaphore(%arg13 : memref<!tpu.dma_semaphore, #tpu.memory_space<semaphore_mem>>) src(%dma_wait3A_177 : memref<10112x96xf32, #tpu.memory_space<vmem_shared>>) dst(%arg9 : memref<40x96xf32, #tpu.memory_space<vmem>>)
      %dma_start3A_178 = arith.constant 0 : i32
      %dma_start3A_179 = arith.constant 0 : i32
      %dma_start3A_180 = tpu.memref_slice %arg11[%dma_start3A_178, %dma_start3A_179] : memref<10112x96xf32, #tpu.memory_space<vmem_shared>> -> memref<10112x96xf32, #tpu.memory_space<vmem_shared>>
      tpu.enqueue_indirect_dma source(%arg9 : memref<40x96xf32, #tpu.memory_space<vmem>>) target(%dma_start3A_180 : memref<10112x96xf32, #tpu.memory_space<vmem_shared>>) offsets(%arg25 : memref<40xi32, #tpu.memory_space<vmem>>) semaphore(%arg15 : memref<!tpu.dma_semaphore, #tpu.memory_space<semaphore_mem>>) {add = true}
      %add3A_181 = arith.constant 6 : i32
      %add3A_182 = arith.addi %add3A_154, %add3A_181 : i32
      %lt3A_183 = arith.constant 504 : i32
      %lt3A_184 = arith.cmpi slt, %add3A_182, %lt3A_183 : i32
      %convert_element_type3A_185 = arith.extui %lt3A_184 : i1 to i32
      %cond3A_186 = arith.constant 0 : i32
      %cond3A_187 = arith.cmpi ne, %convert_element_type3A_185, %cond3A_186 : i32
      scf.if %cond3A_187 {
        %add3A_410 = arith.addi %mul3A_2, %add3A_154 : i32
        %add3A_411 = arith.constant 6 : i32
        %add3A_412 = arith.addi %add3A_410, %add3A_411 : i32
        %dma_start3A_413 = arith.constant 0 : i32
        %dma_start3A_414 = tpu.memref_slice %arg4[%add3A_412, %dma_start3A_413] : memref<8064x40xi32, #tpu.memory_space<hbm>> -> memref<1x40xi32, #tpu.memory_space<hbm>>
        %dma_start3A_415 = tpu.memref_squeeze %dma_start3A_414 : memref<1x40xi32, #tpu.memory_space<hbm>> -> memref<40xi32, #tpu.memory_space<hbm>>
        %dma_start3A_416 = arith.constant 0 : i32
        %dma_start3A_417 = tpu.memref_slice %arg4[%add3A_412, %dma_start3A_416] : memref<8064x40xi32, #tpu.memory_space<hbm>> -> memref<1x40xi32, #tpu.memory_space<hbm>>
        %dma_start3A_418 = tpu.memref_squeeze %dma_start3A_417 : memref<1x40xi32, #tpu.memory_space<hbm>> -> memref<40xi32, #tpu.memory_space<hbm>>
        tpu.enqueue_dma source(%dma_start3A_418 : memref<40xi32, #tpu.memory_space<hbm>>) target(%arg23 : memref<40xi32, #tpu.memory_space<vmem>>) target_semaphore(%arg39 : memref<!tpu.dma_semaphore, #tpu.memory_space<semaphore_mem>>)
        %add3A_419 = arith.addi %mul3A_2, %add3A_154 : i32
        %add3A_420 = arith.constant 6 : i32
        %add3A_421 = arith.addi %add3A_419, %add3A_420 : i32
        %dma_start3A_422 = arith.constant 0 : i32
        %dma_start3A_423 = tpu.memref_slice %arg5[%add3A_421, %dma_start3A_422] : memref<8064x40xi32, #tpu.memory_space<hbm>> -> memref<1x40xi32, #tpu.memory_space<hbm>>
        %dma_start3A_424 = tpu.memref_squeeze %dma_start3A_423 : memref<1x40xi32, #tpu.memory_space<hbm>> -> memref<40xi32, #tpu.memory_space<hbm>>
        %dma_start3A_425 = arith.constant 0 : i32
        %dma_start3A_426 = tpu.memref_slice %arg5[%add3A_421, %dma_start3A_425] : memref<8064x40xi32, #tpu.memory_space<hbm>> -> memref<1x40xi32, #tpu.memory_space<hbm>>
        %dma_start3A_427 = tpu.memref_squeeze %dma_start3A_426 : memref<1x40xi32, #tpu.memory_space<hbm>> -> memref<40xi32, #tpu.memory_space<hbm>>
        tpu.enqueue_dma source(%dma_start3A_427 : memref<40xi32, #tpu.memory_space<hbm>>) target(%arg31 : memref<40xi32, #tpu.memory_space<vmem>>) target_semaphore(%arg47 : memref<!tpu.dma_semaphore, #tpu.memory_space<semaphore_mem>>)
      } else {
      }
      %mul3A_188 = arith.constant 8 : i32
      %mul3A_189 = arith.muli %scan3A_115, %mul3A_188 : i32
      %add3A_190 = arith.constant 2 : i32
      %add3A_191 = arith.addi %mul3A_189, %add3A_190 : i32
      %dma_wait3A_192 = arith.constant 0 : i32
      %dma_wait3A_193 = tpu.memref_slice %arg4[%mul3A_2, %dma_wait3A_192] : memref<8064x40xi32, #tpu.memory_space<hbm>> -> memref<1x40xi32, #tpu.memory_space<hbm>>
      %dma_wait3A_194 = tpu.memref_squeeze %dma_wait3A_193 : memref<1x40xi32, #tpu.memory_space<hbm>> -> memref<40xi32, #tpu.memory_space<hbm>>
      %dma_wait3A_195 = arith.constant 0 : i32
      %dma_wait3A_196 = tpu.memref_slice %arg4[%mul3A_2, %dma_wait3A_195] : memref<8064x40xi32, #tpu.memory_space<hbm>> -> memref<1x40xi32, #tpu.memory_space<hbm>>
      %dma_wait3A_197 = tpu.memref_squeeze %dma_wait3A_196 : memref<1x40xi32, #tpu.memory_space<hbm>> -> memref<40xi32, #tpu.memory_space<hbm>>
      tpu.wait_dma2 semaphore(%arg34 : memref<!tpu.dma_semaphore, #tpu.memory_space<semaphore_mem>>) src(%dma_wait3A_197 : memref<40xi32, #tpu.memory_space<hbm>>) dst(%arg18 : memref<40xi32, #tpu.memory_space<vmem>>)
      %dma_wait3A_198 = arith.constant 0 : i32
      %dma_wait3A_199 = tpu.memref_slice %arg5[%mul3A_2, %dma_wait3A_198] : memref<8064x40xi32, #tpu.memory_space<hbm>> -> memref<1x40xi32, #tpu.memory_space<hbm>>
      %dma_wait3A_200 = tpu.memref_squeeze %dma_wait3A_199 : memref<1x40xi32, #tpu.memory_space<hbm>> -> memref<40xi32, #tpu.memory_space<hbm>>
      %dma_wait3A_201 = arith.constant 0 : i32
      %dma_wait3A_202 = tpu.memref_slice %arg5[%mul3A_2, %dma_wait3A_201] : memref<8064x40xi32, #tpu.memory_space<hbm>> -> memref<1x40xi32, #tpu.memory_space<hbm>>
      %dma_wait3A_203 = tpu.memref_squeeze %dma_wait3A_202 : memref<1x40xi32, #tpu.memory_space<hbm>> -> memref<40xi32, #tpu.memory_space<hbm>>
      tpu.wait_dma2 semaphore(%arg42 : memref<!tpu.dma_semaphore, #tpu.memory_space<semaphore_mem>>) src(%dma_wait3A_203 : memref<40xi32, #tpu.memory_space<hbm>>) dst(%arg26 : memref<40xi32, #tpu.memory_space<vmem>>)
      %ge3A_204 = arith.constant 2 : i32
      %ge3A_205 = arith.cmpi sge, %add3A_191, %ge3A_204 : i32
      %convert_element_type3A_206 = arith.extui %ge3A_205 : i1 to i32
      %cond3A_207 = arith.constant 0 : i32
      %cond3A_208 = arith.cmpi ne, %convert_element_type3A_206, %cond3A_207 : i32
      scf.if %cond3A_208 {
        %dma_wait3A_410 = arith.constant 0 : i32
        %dma_wait3A_411 = arith.constant 0 : i32
        %dma_wait3A_412 = tpu.memref_slice %arg11[%dma_wait3A_410, %dma_wait3A_411] : memref<10112x96xf32, #tpu.memory_space<vmem_shared>> -> memref<10112x96xf32, #tpu.memory_space<vmem_shared>>
        tpu.wait_indirect_dma semaphore(%arg14 : memref<!tpu.dma_semaphore, #tpu.memory_space<semaphore_mem>>) src(%arg8 : memref<40x96xf32, #tpu.memory_space<vmem>>) dst(%dma_wait3A_412 : memref<10112x96xf32, #tpu.memory_space<vmem_shared>>)
      } else {
      }
      %dma_start3A_209 = arith.constant 0 : i32
      %dma_start3A_210 = arith.constant 0 : i32
      %dma_start3A_211 = tpu.memref_slice %arg10[%dma_start3A_209, %dma_start3A_210] : memref<10112x96xf32, #tpu.memory_space<vmem_shared>> -> memref<10112x96xf32, #tpu.memory_space<vmem_shared>>
      tpu.enqueue_indirect_dma source(%dma_start3A_211 : memref<10112x96xf32, #tpu.memory_space<vmem_shared>>) target(%arg8 : memref<40x96xf32, #tpu.memory_space<vmem>>) offsets(%arg18 : memref<40xi32, #tpu.memory_space<vmem>>) semaphore(%arg12 : memref<!tpu.dma_semaphore, #tpu.memory_space<semaphore_mem>>)
      %dma_wait3A_212 = arith.constant 0 : i32
      %dma_wait3A_213 = arith.constant 0 : i32
      %dma_wait3A_214 = tpu.memref_slice %arg10[%dma_wait3A_212, %dma_wait3A_213] : memref<10112x96xf32, #tpu.memory_space<vmem_shared>> -> memref<10112x96xf32, #tpu.memory_space<vmem_shared>>
      tpu.wait_indirect_dma semaphore(%arg12 : memref<!tpu.dma_semaphore, #tpu.memory_space<semaphore_mem>>) src(%dma_wait3A_214 : memref<10112x96xf32, #tpu.memory_space<vmem_shared>>) dst(%arg8 : memref<40x96xf32, #tpu.memory_space<vmem>>)
      %dma_start3A_215 = arith.constant 0 : i32
      %dma_start3A_216 = arith.constant 0 : i32
      %dma_start3A_217 = tpu.memref_slice %arg11[%dma_start3A_215, %dma_start3A_216] : memref<10112x96xf32, #tpu.memory_space<vmem_shared>> -> memref<10112x96xf32, #tpu.memory_space<vmem_shared>>
      tpu.enqueue_indirect_dma source(%arg8 : memref<40x96xf32, #tpu.memory_space<vmem>>) target(%dma_start3A_217 : memref<10112x96xf32, #tpu.memory_space<vmem_shared>>) offsets(%arg26 : memref<40xi32, #tpu.memory_space<vmem>>) semaphore(%arg14 : memref<!tpu.dma_semaphore, #tpu.memory_space<semaphore_mem>>) {add = true}
      %add3A_218 = arith.constant 6 : i32
      %add3A_219 = arith.addi %add3A_191, %add3A_218 : i32
      %lt3A_220 = arith.constant 504 : i32
      %lt3A_221 = arith.cmpi slt, %add3A_219, %lt3A_220 : i32
      %convert_element_type3A_222 = arith.extui %lt3A_221 : i1 to i32
      %cond3A_223 = arith.constant 0 : i32
      %cond3A_224 = arith.cmpi ne, %convert_element_type3A_222, %cond3A_223 : i32
      scf.if %cond3A_224 {
        %add3A_410 = arith.addi %mul3A_2, %add3A_191 : i32
        %add3A_411 = arith.constant 6 : i32
        %add3A_412 = arith.addi %add3A_410, %add3A_411 : i32
        %dma_start3A_413 = arith.constant 0 : i32
        %dma_start3A_414 = tpu.memref_slice %arg4[%add3A_412, %dma_start3A_413] : memref<8064x40xi32, #tpu.memory_space<hbm>> -> memref<1x40xi32, #tpu.memory_space<hbm>>
        %dma_start3A_415 = tpu.memref_squeeze %dma_start3A_414 : memref<1x40xi32, #tpu.memory_space<hbm>> -> memref<40xi32, #tpu.memory_space<hbm>>
        %dma_start3A_416 = arith.constant 0 : i32
        %dma_start3A_417 = tpu.memref_slice %arg4[%add3A_412, %dma_start3A_416] : memref<8064x40xi32, #tpu.memory_space<hbm>> -> memref<1x40xi32, #tpu.memory_space<hbm>>
        %dma_start3A_418 = tpu.memref_squeeze %dma_start3A_417 : memref<1x40xi32, #tpu.memory_space<hbm>> -> memref<40xi32, #tpu.memory_space<hbm>>
        tpu.enqueue_dma source(%dma_start3A_418 : memref<40xi32, #tpu.memory_space<hbm>>) target(%arg16 : memref<40xi32, #tpu.memory_space<vmem>>) target_semaphore(%arg32 : memref<!tpu.dma_semaphore, #tpu.memory_space<semaphore_mem>>)
        %add3A_419 = arith.addi %mul3A_2, %add3A_191 : i32
        %add3A_420 = arith.constant 6 : i32
        %add3A_421 = arith.addi %add3A_419, %add3A_420 : i32
        %dma_start3A_422 = arith.constant 0 : i32
        %dma_start3A_423 = tpu.memref_slice %arg5[%add3A_421, %dma_start3A_422] : memref<8064x40xi32, #tpu.memory_space<hbm>> -> memref<1x40xi32, #tpu.memory_space<hbm>>
        %dma_start3A_424 = tpu.memref_squeeze %dma_start3A_423 : memref<1x40xi32, #tpu.memory_space<hbm>> -> memref<40xi32, #tpu.memory_space<hbm>>
        %dma_start3A_425 = arith.constant 0 : i32
        %dma_start3A_426 = tpu.memref_slice %arg5[%add3A_421, %dma_start3A_425] : memref<8064x40xi32, #tpu.memory_space<hbm>> -> memref<1x40xi32, #tpu.memory_space<hbm>>
        %dma_start3A_427 = tpu.memref_squeeze %dma_start3A_426 : memref<1x40xi32, #tpu.memory_space<hbm>> -> memref<40xi32, #tpu.memory_space<hbm>>
        tpu.enqueue_dma source(%dma_start3A_427 : memref<40xi32, #tpu.memory_space<hbm>>) target(%arg24 : memref<40xi32, #tpu.memory_space<vmem>>) target_semaphore(%arg40 : memref<!tpu.dma_semaphore, #tpu.memory_space<semaphore_mem>>)
      } else {
      }
      %mul3A_225 = arith.constant 8 : i32
      %mul3A_226 = arith.muli %scan3A_115, %mul3A_225 : i32
      %add3A_227 = arith.constant 3 : i32
      %add3A_228 = arith.addi %mul3A_226, %add3A_227 : i32
      %dma_wait3A_229 = arith.constant 0 : i32
      %dma_wait3A_230 = tpu.memref_slice %arg4[%mul3A_2, %dma_wait3A_229] : memref<8064x40xi32, #tpu.memory_space<hbm>> -> memref<1x40xi32, #tpu.memory_space<hbm>>
      %dma_wait3A_231 = tpu.memref_squeeze %dma_wait3A_230 : memref<1x40xi32, #tpu.memory_space<hbm>> -> memref<40xi32, #tpu.memory_space<hbm>>
      %dma_wait3A_232 = arith.constant 0 : i32
      %dma_wait3A_233 = tpu.memref_slice %arg4[%mul3A_2, %dma_wait3A_232] : memref<8064x40xi32, #tpu.memory_space<hbm>> -> memref<1x40xi32, #tpu.memory_space<hbm>>
      %dma_wait3A_234 = tpu.memref_squeeze %dma_wait3A_233 : memref<1x40xi32, #tpu.memory_space<hbm>> -> memref<40xi32, #tpu.memory_space<hbm>>
      tpu.wait_dma2 semaphore(%arg35 : memref<!tpu.dma_semaphore, #tpu.memory_space<semaphore_mem>>) src(%dma_wait3A_234 : memref<40xi32, #tpu.memory_space<hbm>>) dst(%arg19 : memref<40xi32, #tpu.memory_space<vmem>>)
      %dma_wait3A_235 = arith.constant 0 : i32
      %dma_wait3A_236 = tpu.memref_slice %arg5[%mul3A_2, %dma_wait3A_235] : memref<8064x40xi32, #tpu.memory_space<hbm>> -> memref<1x40xi32, #tpu.memory_space<hbm>>
      %dma_wait3A_237 = tpu.memref_squeeze %dma_wait3A_236 : memref<1x40xi32, #tpu.memory_space<hbm>> -> memref<40xi32, #tpu.memory_space<hbm>>
      %dma_wait3A_238 = arith.constant 0 : i32
      %dma_wait3A_239 = tpu.memref_slice %arg5[%mul3A_2, %dma_wait3A_238] : memref<8064x40xi32, #tpu.memory_space<hbm>> -> memref<1x40xi32, #tpu.memory_space<hbm>>
      %dma_wait3A_240 = tpu.memref_squeeze %dma_wait3A_239 : memref<1x40xi32, #tpu.memory_space<hbm>> -> memref<40xi32, #tpu.memory_space<hbm>>
      tpu.wait_dma2 semaphore(%arg43 : memref<!tpu.dma_semaphore, #tpu.memory_space<semaphore_mem>>) src(%dma_wait3A_240 : memref<40xi32, #tpu.memory_space<hbm>>) dst(%arg27 : memref<40xi32, #tpu.memory_space<vmem>>)
      %ge3A_241 = arith.constant 2 : i32
      %ge3A_242 = arith.cmpi sge, %add3A_228, %ge3A_241 : i32
      %convert_element_type3A_243 = arith.extui %ge3A_242 : i1 to i32
      %cond3A_244 = arith.constant 0 : i32
      %cond3A_245 = arith.cmpi ne, %convert_element_type3A_243, %cond3A_244 : i32
      scf.if %cond3A_245 {
        %dma_wait3A_410 = arith.constant 0 : i32
        %dma_wait3A_411 = arith.constant 0 : i32
        %dma_wait3A_412 = tpu.memref_slice %arg11[%dma_wait3A_410, %dma_wait3A_411] : memref<10112x96xf32, #tpu.memory_space<vmem_shared>> -> memref<10112x96xf32, #tpu.memory_space<vmem_shared>>
        tpu.wait_indirect_dma semaphore(%arg15 : memref<!tpu.dma_semaphore, #tpu.memory_space<semaphore_mem>>) src(%arg9 : memref<40x96xf32, #tpu.memory_space<vmem>>) dst(%dma_wait3A_412 : memref<10112x96xf32, #tpu.memory_space<vmem_shared>>)
      } else {
      }
      %dma_start3A_246 = arith.constant 0 : i32
      %dma_start3A_247 = arith.constant 0 : i32
      %dma_start3A_248 = tpu.memref_slice %arg10[%dma_start3A_246, %dma_start3A_247] : memref<10112x96xf32, #tpu.memory_space<vmem_shared>> -> memref<10112x96xf32, #tpu.memory_space<vmem_shared>>
      tpu.enqueue_indirect_dma source(%dma_start3A_248 : memref<10112x96xf32, #tpu.memory_space<vmem_shared>>) target(%arg9 : memref<40x96xf32, #tpu.memory_space<vmem>>) offsets(%arg19 : memref<40xi32, #tpu.memory_space<vmem>>) semaphore(%arg13 : memref<!tpu.dma_semaphore, #tpu.memory_space<semaphore_mem>>)
      %dma_wait3A_249 = arith.constant 0 : i32
      %dma_wait3A_250 = arith.constant 0 : i32
      %dma_wait3A_251 = tpu.memref_slice %arg10[%dma_wait3A_249, %dma_wait3A_250] : memref<10112x96xf32, #tpu.memory_space<vmem_shared>> -> memref<10112x96xf32, #tpu.memory_space<vmem_shared>>
      tpu.wait_indirect_dma semaphore(%arg13 : memref<!tpu.dma_semaphore, #tpu.memory_space<semaphore_mem>>) src(%dma_wait3A_251 : memref<10112x96xf32, #tpu.memory_space<vmem_shared>>) dst(%arg9 : memref<40x96xf32, #tpu.memory_space<vmem>>)
      %dma_start3A_252 = arith.constant 0 : i32
      %dma_start3A_253 = arith.constant 0 : i32
      %dma_start3A_254 = tpu.memref_slice %arg11[%dma_start3A_252, %dma_start3A_253] : memref<10112x96xf32, #tpu.memory_space<vmem_shared>> -> memref<10112x96xf32, #tpu.memory_space<vmem_shared>>
      tpu.enqueue_indirect_dma source(%arg9 : memref<40x96xf32, #tpu.memory_space<vmem>>) target(%dma_start3A_254 : memref<10112x96xf32, #tpu.memory_space<vmem_shared>>) offsets(%arg27 : memref<40xi32, #tpu.memory_space<vmem>>) semaphore(%arg15 : memref<!tpu.dma_semaphore, #tpu.memory_space<semaphore_mem>>) {add = true}
      %add3A_255 = arith.constant 6 : i32
      %add3A_256 = arith.addi %add3A_228, %add3A_255 : i32
      %lt3A_257 = arith.constant 504 : i32
      %lt3A_258 = arith.cmpi slt, %add3A_256, %lt3A_257 : i32
      %convert_element_type3A_259 = arith.extui %lt3A_258 : i1 to i32
      %cond3A_260 = arith.constant 0 : i32
      %cond3A_261 = arith.cmpi ne, %convert_element_type3A_259, %cond3A_260 : i32
      scf.if %cond3A_261 {
        %add3A_410 = arith.addi %mul3A_2, %add3A_228 : i32
        %add3A_411 = arith.constant 6 : i32
        %add3A_412 = arith.addi %add3A_410, %add3A_411 : i32
        %dma_start3A_413 = arith.constant 0 : i32
        %dma_start3A_414 = tpu.memref_slice %arg4[%add3A_412, %dma_start3A_413] : memref<8064x40xi32, #tpu.memory_space<hbm>> -> memref<1x40xi32, #tpu.memory_space<hbm>>
        %dma_start3A_415 = tpu.memref_squeeze %dma_start3A_414 : memref<1x40xi32, #tpu.memory_space<hbm>> -> memref<40xi32, #tpu.memory_space<hbm>>
        %dma_start3A_416 = arith.constant 0 : i32
        %dma_start3A_417 = tpu.memref_slice %arg4[%add3A_412, %dma_start3A_416] : memref<8064x40xi32, #tpu.memory_space<hbm>> -> memref<1x40xi32, #tpu.memory_space<hbm>>
        %dma_start3A_418 = tpu.memref_squeeze %dma_start3A_417 : memref<1x40xi32, #tpu.memory_space<hbm>> -> memref<40xi32, #tpu.memory_space<hbm>>
        tpu.enqueue_dma source(%dma_start3A_418 : memref<40xi32, #tpu.memory_space<hbm>>) target(%arg17 : memref<40xi32, #tpu.memory_space<vmem>>) target_semaphore(%arg33 : memref<!tpu.dma_semaphore, #tpu.memory_space<semaphore_mem>>)
        %add3A_419 = arith.addi %mul3A_2, %add3A_228 : i32
        %add3A_420 = arith.constant 6 : i32
        %add3A_421 = arith.addi %add3A_419, %add3A_420 : i32
        %dma_start3A_422 = arith.constant 0 : i32
        %dma_start3A_423 = tpu.memref_slice %arg5[%add3A_421, %dma_start3A_422] : memref<8064x40xi32, #tpu.memory_space<hbm>> -> memref<1x40xi32, #tpu.memory_space<hbm>>
        %dma_start3A_424 = tpu.memref_squeeze %dma_start3A_423 : memref<1x40xi32, #tpu.memory_space<hbm>> -> memref<40xi32, #tpu.memory_space<hbm>>
        %dma_start3A_425 = arith.constant 0 : i32
        %dma_start3A_426 = tpu.memref_slice %arg5[%add3A_421, %dma_start3A_425] : memref<8064x40xi32, #tpu.memory_space<hbm>> -> memref<1x40xi32, #tpu.memory_space<hbm>>
        %dma_start3A_427 = tpu.memref_squeeze %dma_start3A_426 : memref<1x40xi32, #tpu.memory_space<hbm>> -> memref<40xi32, #tpu.memory_space<hbm>>
        tpu.enqueue_dma source(%dma_start3A_427 : memref<40xi32, #tpu.memory_space<hbm>>) target(%arg25 : memref<40xi32, #tpu.memory_space<vmem>>) target_semaphore(%arg41 : memref<!tpu.dma_semaphore, #tpu.memory_space<semaphore_mem>>)
      } else {
      }
      %mul3A_262 = arith.constant 8 : i32
      %mul3A_263 = arith.muli %scan3A_115, %mul3A_262 : i32
      %add3A_264 = arith.constant 4 : i32
      %add3A_265 = arith.addi %mul3A_263, %add3A_264 : i32
      %dma_wait3A_266 = arith.constant 0 : i32
      %dma_wait3A_267 = tpu.memref_slice %arg4[%mul3A_2, %dma_wait3A_266] : memref<8064x40xi32, #tpu.memory_space<hbm>> -> memref<1x40xi32, #tpu.memory_space<hbm>>
      %dma_wait3A_268 = tpu.memref_squeeze %dma_wait3A_267 : memref<1x40xi32, #tpu.memory_space<hbm>> -> memref<40xi32, #tpu.memory_space<hbm>>
      %dma_wait3A_269 = arith.constant 0 : i32
      %dma_wait3A_270 = tpu.memref_slice %arg4[%mul3A_2, %dma_wait3A_269] : memref<8064x40xi32, #tpu.memory_space<hbm>> -> memref<1x40xi32, #tpu.memory_space<hbm>>
      %dma_wait3A_271 = tpu.memref_squeeze %dma_wait3A_270 : memref<1x40xi32, #tpu.memory_space<hbm>> -> memref<40xi32, #tpu.memory_space<hbm>>
      tpu.wait_dma2 semaphore(%arg36 : memref<!tpu.dma_semaphore, #tpu.memory_space<semaphore_mem>>) src(%dma_wait3A_271 : memref<40xi32, #tpu.memory_space<hbm>>) dst(%arg20 : memref<40xi32, #tpu.memory_space<vmem>>)
      %dma_wait3A_272 = arith.constant 0 : i32
      %dma_wait3A_273 = tpu.memref_slice %arg5[%mul3A_2, %dma_wait3A_272] : memref<8064x40xi32, #tpu.memory_space<hbm>> -> memref<1x40xi32, #tpu.memory_space<hbm>>
      %dma_wait3A_274 = tpu.memref_squeeze %dma_wait3A_273 : memref<1x40xi32, #tpu.memory_space<hbm>> -> memref<40xi32, #tpu.memory_space<hbm>>
      %dma_wait3A_275 = arith.constant 0 : i32
      %dma_wait3A_276 = tpu.memref_slice %arg5[%mul3A_2, %dma_wait3A_275] : memref<8064x40xi32, #tpu.memory_space<hbm>> -> memref<1x40xi32, #tpu.memory_space<hbm>>
      %dma_wait3A_277 = tpu.memref_squeeze %dma_wait3A_276 : memref<1x40xi32, #tpu.memory_space<hbm>> -> memref<40xi32, #tpu.memory_space<hbm>>
      tpu.wait_dma2 semaphore(%arg44 : memref<!tpu.dma_semaphore, #tpu.memory_space<semaphore_mem>>) src(%dma_wait3A_277 : memref<40xi32, #tpu.memory_space<hbm>>) dst(%arg28 : memref<40xi32, #tpu.memory_space<vmem>>)
      %ge3A_278 = arith.constant 2 : i32
      %ge3A_279 = arith.cmpi sge, %add3A_265, %ge3A_278 : i32
      %convert_element_type3A_280 = arith.extui %ge3A_279 : i1 to i32
      %cond3A_281 = arith.constant 0 : i32
      %cond3A_282 = arith.cmpi ne, %convert_element_type3A_280, %cond3A_281 : i32
      scf.if %cond3A_282 {
        %dma_wait3A_410 = arith.constant 0 : i32
        %dma_wait3A_411 = arith.constant 0 : i32
        %dma_wait3A_412 = tpu.memref_slice %arg11[%dma_wait3A_410, %dma_wait3A_411] : memref<10112x96xf32, #tpu.memory_space<vmem_shared>> -> memref<10112x96xf32, #tpu.memory_space<vmem_shared>>
        tpu.wait_indirect_dma semaphore(%arg14 : memref<!tpu.dma_semaphore, #tpu.memory_space<semaphore_mem>>) src(%arg8 : memref<40x96xf32, #tpu.memory_space<vmem>>) dst(%dma_wait3A_412 : memref<10112x96xf32, #tpu.memory_space<vmem_shared>>)
      } else {
      }
      %dma_start3A_283 = arith.constant 0 : i32
      %dma_start3A_284 = arith.constant 0 : i32
      %dma_start3A_285 = tpu.memref_slice %arg10[%dma_start3A_283, %dma_start3A_284] : memref<10112x96xf32, #tpu.memory_space<vmem_shared>> -> memref<10112x96xf32, #tpu.memory_space<vmem_shared>>
      tpu.enqueue_indirect_dma source(%dma_start3A_285 : memref<10112x96xf32, #tpu.memory_space<vmem_shared>>) target(%arg8 : memref<40x96xf32, #tpu.memory_space<vmem>>) offsets(%arg20 : memref<40xi32, #tpu.memory_space<vmem>>) semaphore(%arg12 : memref<!tpu.dma_semaphore, #tpu.memory_space<semaphore_mem>>)
      %dma_wait3A_286 = arith.constant 0 : i32
      %dma_wait3A_287 = arith.constant 0 : i32
      %dma_wait3A_288 = tpu.memref_slice %arg10[%dma_wait3A_286, %dma_wait3A_287] : memref<10112x96xf32, #tpu.memory_space<vmem_shared>> -> memref<10112x96xf32, #tpu.memory_space<vmem_shared>>
      tpu.wait_indirect_dma semaphore(%arg12 : memref<!tpu.dma_semaphore, #tpu.memory_space<semaphore_mem>>) src(%dma_wait3A_288 : memref<10112x96xf32, #tpu.memory_space<vmem_shared>>) dst(%arg8 : memref<40x96xf32, #tpu.memory_space<vmem>>)
      %dma_start3A_289 = arith.constant 0 : i32
      %dma_start3A_290 = arith.constant 0 : i32
      %dma_start3A_291 = tpu.memref_slice %arg11[%dma_start3A_289, %dma_start3A_290] : memref<10112x96xf32, #tpu.memory_space<vmem_shared>> -> memref<10112x96xf32, #tpu.memory_space<vmem_shared>>
      tpu.enqueue_indirect_dma source(%arg8 : memref<40x96xf32, #tpu.memory_space<vmem>>) target(%dma_start3A_291 : memref<10112x96xf32, #tpu.memory_space<vmem_shared>>) offsets(%arg28 : memref<40xi32, #tpu.memory_space<vmem>>) semaphore(%arg14 : memref<!tpu.dma_semaphore, #tpu.memory_space<semaphore_mem>>) {add = true}
      %add3A_292 = arith.constant 6 : i32
      %add3A_293 = arith.addi %add3A_265, %add3A_292 : i32
      %lt3A_294 = arith.constant 504 : i32
      %lt3A_295 = arith.cmpi slt, %add3A_293, %lt3A_294 : i32
      %convert_element_type3A_296 = arith.extui %lt3A_295 : i1 to i32
      %cond3A_297 = arith.constant 0 : i32
      %cond3A_298 = arith.cmpi ne, %convert_element_type3A_296, %cond3A_297 : i32
      scf.if %cond3A_298 {
        %add3A_410 = arith.addi %mul3A_2, %add3A_265 : i32
        %add3A_411 = arith.constant 6 : i32
        %add3A_412 = arith.addi %add3A_410, %add3A_411 : i32
        %dma_start3A_413 = arith.constant 0 : i32
        %dma_start3A_414 = tpu.memref_slice %arg4[%add3A_412, %dma_start3A_413] : memref<8064x40xi32, #tpu.memory_space<hbm>> -> memref<1x40xi32, #tpu.memory_space<hbm>>
        %dma_start3A_415 = tpu.memref_squeeze %dma_start3A_414 : memref<1x40xi32, #tpu.memory_space<hbm>> -> memref<40xi32, #tpu.memory_space<hbm>>
        %dma_start3A_416 = arith.constant 0 : i32
        %dma_start3A_417 = tpu.memref_slice %arg4[%add3A_412, %dma_start3A_416] : memref<8064x40xi32, #tpu.memory_space<hbm>> -> memref<1x40xi32, #tpu.memory_space<hbm>>
        %dma_start3A_418 = tpu.memref_squeeze %dma_start3A_417 : memref<1x40xi32, #tpu.memory_space<hbm>> -> memref<40xi32, #tpu.memory_space<hbm>>
        tpu.enqueue_dma source(%dma_start3A_418 : memref<40xi32, #tpu.memory_space<hbm>>) target(%arg18 : memref<40xi32, #tpu.memory_space<vmem>>) target_semaphore(%arg34 : memref<!tpu.dma_semaphore, #tpu.memory_space<semaphore_mem>>)
        %add3A_419 = arith.addi %mul3A_2, %add3A_265 : i32
        %add3A_420 = arith.constant 6 : i32
        %add3A_421 = arith.addi %add3A_419, %add3A_420 : i32
        %dma_start3A_422 = arith.constant 0 : i32
        %dma_start3A_423 = tpu.memref_slice %arg5[%add3A_421, %dma_start3A_422] : memref<8064x40xi32, #tpu.memory_space<hbm>> -> memref<1x40xi32, #tpu.memory_space<hbm>>
        %dma_start3A_424 = tpu.memref_squeeze %dma_start3A_423 : memref<1x40xi32, #tpu.memory_space<hbm>> -> memref<40xi32, #tpu.memory_space<hbm>>
        %dma_start3A_425 = arith.constant 0 : i32
        %dma_start3A_426 = tpu.memref_slice %arg5[%add3A_421, %dma_start3A_425] : memref<8064x40xi32, #tpu.memory_space<hbm>> -> memref<1x40xi32, #tpu.memory_space<hbm>>
        %dma_start3A_427 = tpu.memref_squeeze %dma_start3A_426 : memref<1x40xi32, #tpu.memory_space<hbm>> -> memref<40xi32, #tpu.memory_space<hbm>>
        tpu.enqueue_dma source(%dma_start3A_427 : memref<40xi32, #tpu.memory_space<hbm>>) target(%arg26 : memref<40xi32, #tpu.memory_space<vmem>>) target_semaphore(%arg42 : memref<!tpu.dma_semaphore, #tpu.memory_space<semaphore_mem>>)
      } else {
      }
      %mul3A_299 = arith.constant 8 : i32
      %mul3A_300 = arith.muli %scan3A_115, %mul3A_299 : i32
      %add3A_301 = arith.constant 5 : i32
      %add3A_302 = arith.addi %mul3A_300, %add3A_301 : i32
      %dma_wait3A_303 = arith.constant 0 : i32
      %dma_wait3A_304 = tpu.memref_slice %arg4[%mul3A_2, %dma_wait3A_303] : memref<8064x40xi32, #tpu.memory_space<hbm>> -> memref<1x40xi32, #tpu.memory_space<hbm>>
      %dma_wait3A_305 = tpu.memref_squeeze %dma_wait3A_304 : memref<1x40xi32, #tpu.memory_space<hbm>> -> memref<40xi32, #tpu.memory_space<hbm>>
      %dma_wait3A_306 = arith.constant 0 : i32
      %dma_wait3A_307 = tpu.memref_slice %arg4[%mul3A_2, %dma_wait3A_306] : memref<8064x40xi32, #tpu.memory_space<hbm>> -> memref<1x40xi32, #tpu.memory_space<hbm>>
      %dma_wait3A_308 = tpu.memref_squeeze %dma_wait3A_307 : memref<1x40xi32, #tpu.memory_space<hbm>> -> memref<40xi32, #tpu.memory_space<hbm>>
      tpu.wait_dma2 semaphore(%arg37 : memref<!tpu.dma_semaphore, #tpu.memory_space<semaphore_mem>>) src(%dma_wait3A_308 : memref<40xi32, #tpu.memory_space<hbm>>) dst(%arg21 : memref<40xi32, #tpu.memory_space<vmem>>)
      %dma_wait3A_309 = arith.constant 0 : i32
      %dma_wait3A_310 = tpu.memref_slice %arg5[%mul3A_2, %dma_wait3A_309] : memref<8064x40xi32, #tpu.memory_space<hbm>> -> memref<1x40xi32, #tpu.memory_space<hbm>>
      %dma_wait3A_311 = tpu.memref_squeeze %dma_wait3A_310 : memref<1x40xi32, #tpu.memory_space<hbm>> -> memref<40xi32, #tpu.memory_space<hbm>>
      %dma_wait3A_312 = arith.constant 0 : i32
      %dma_wait3A_313 = tpu.memref_slice %arg5[%mul3A_2, %dma_wait3A_312] : memref<8064x40xi32, #tpu.memory_space<hbm>> -> memref<1x40xi32, #tpu.memory_space<hbm>>
      %dma_wait3A_314 = tpu.memref_squeeze %dma_wait3A_313 : memref<1x40xi32, #tpu.memory_space<hbm>> -> memref<40xi32, #tpu.memory_space<hbm>>
      tpu.wait_dma2 semaphore(%arg45 : memref<!tpu.dma_semaphore, #tpu.memory_space<semaphore_mem>>) src(%dma_wait3A_314 : memref<40xi32, #tpu.memory_space<hbm>>) dst(%arg29 : memref<40xi32, #tpu.memory_space<vmem>>)
      %ge3A_315 = arith.constant 2 : i32
      %ge3A_316 = arith.cmpi sge, %add3A_302, %ge3A_315 : i32
      %convert_element_type3A_317 = arith.extui %ge3A_316 : i1 to i32
      %cond3A_318 = arith.constant 0 : i32
      %cond3A_319 = arith.cmpi ne, %convert_element_type3A_317, %cond3A_318 : i32
      scf.if %cond3A_319 {
        %dma_wait3A_410 = arith.constant 0 : i32
        %dma_wait3A_411 = arith.constant 0 : i32
        %dma_wait3A_412 = tpu.memref_slice %arg11[%dma_wait3A_410, %dma_wait3A_411] : memref<10112x96xf32, #tpu.memory_space<vmem_shared>> -> memref<10112x96xf32, #tpu.memory_space<vmem_shared>>
        tpu.wait_indirect_dma semaphore(%arg15 : memref<!tpu.dma_semaphore, #tpu.memory_space<semaphore_mem>>) src(%arg9 : memref<40x96xf32, #tpu.memory_space<vmem>>) dst(%dma_wait3A_412 : memref<10112x96xf32, #tpu.memory_space<vmem_shared>>)
      } else {
      }
      %dma_start3A_320 = arith.constant 0 : i32
      %dma_start3A_321 = arith.constant 0 : i32
      %dma_start3A_322 = tpu.memref_slice %arg10[%dma_start3A_320, %dma_start3A_321] : memref<10112x96xf32, #tpu.memory_space<vmem_shared>> -> memref<10112x96xf32, #tpu.memory_space<vmem_shared>>
      tpu.enqueue_indirect_dma source(%dma_start3A_322 : memref<10112x96xf32, #tpu.memory_space<vmem_shared>>) target(%arg9 : memref<40x96xf32, #tpu.memory_space<vmem>>) offsets(%arg21 : memref<40xi32, #tpu.memory_space<vmem>>) semaphore(%arg13 : memref<!tpu.dma_semaphore, #tpu.memory_space<semaphore_mem>>)
      %dma_wait3A_323 = arith.constant 0 : i32
      %dma_wait3A_324 = arith.constant 0 : i32
      %dma_wait3A_325 = tpu.memref_slice %arg10[%dma_wait3A_323, %dma_wait3A_324] : memref<10112x96xf32, #tpu.memory_space<vmem_shared>> -> memref<10112x96xf32, #tpu.memory_space<vmem_shared>>
      tpu.wait_indirect_dma semaphore(%arg13 : memref<!tpu.dma_semaphore, #tpu.memory_space<semaphore_mem>>) src(%dma_wait3A_325 : memref<10112x96xf32, #tpu.memory_space<vmem_shared>>) dst(%arg9 : memref<40x96xf32, #tpu.memory_space<vmem>>)
      %dma_start3A_326 = arith.constant 0 : i32
      %dma_start3A_327 = arith.constant 0 : i32
      %dma_start3A_328 = tpu.memref_slice %arg11[%dma_start3A_326, %dma_start3A_327] : memref<10112x96xf32, #tpu.memory_space<vmem_shared>> -> memref<10112x96xf32, #tpu.memory_space<vmem_shared>>
      tpu.enqueue_indirect_dma source(%arg9 : memref<40x96xf32, #tpu.memory_space<vmem>>) target(%dma_start3A_328 : memref<10112x96xf32, #tpu.memory_space<vmem_shared>>) offsets(%arg29 : memref<40xi32, #tpu.memory_space<vmem>>) semaphore(%arg15 : memref<!tpu.dma_semaphore, #tpu.memory_space<semaphore_mem>>) {add = true}
      %add3A_329 = arith.constant 6 : i32
      %add3A_330 = arith.addi %add3A_302, %add3A_329 : i32
      %lt3A_331 = arith.constant 504 : i32
      %lt3A_332 = arith.cmpi slt, %add3A_330, %lt3A_331 : i32
      %convert_element_type3A_333 = arith.extui %lt3A_332 : i1 to i32
      %cond3A_334 = arith.constant 0 : i32
      %cond3A_335 = arith.cmpi ne, %convert_element_type3A_333, %cond3A_334 : i32
      scf.if %cond3A_335 {
        %add3A_410 = arith.addi %mul3A_2, %add3A_302 : i32
        %add3A_411 = arith.constant 6 : i32
        %add3A_412 = arith.addi %add3A_410, %add3A_411 : i32
        %dma_start3A_413 = arith.constant 0 : i32
        %dma_start3A_414 = tpu.memref_slice %arg4[%add3A_412, %dma_start3A_413] : memref<8064x40xi32, #tpu.memory_space<hbm>> -> memref<1x40xi32, #tpu.memory_space<hbm>>
        %dma_start3A_415 = tpu.memref_squeeze %dma_start3A_414 : memref<1x40xi32, #tpu.memory_space<hbm>> -> memref<40xi32, #tpu.memory_space<hbm>>
        %dma_start3A_416 = arith.constant 0 : i32
        %dma_start3A_417 = tpu.memref_slice %arg4[%add3A_412, %dma_start3A_416] : memref<8064x40xi32, #tpu.memory_space<hbm>> -> memref<1x40xi32, #tpu.memory_space<hbm>>
        %dma_start3A_418 = tpu.memref_squeeze %dma_start3A_417 : memref<1x40xi32, #tpu.memory_space<hbm>> -> memref<40xi32, #tpu.memory_space<hbm>>
        tpu.enqueue_dma source(%dma_start3A_418 : memref<40xi32, #tpu.memory_space<hbm>>) target(%arg19 : memref<40xi32, #tpu.memory_space<vmem>>) target_semaphore(%arg35 : memref<!tpu.dma_semaphore, #tpu.memory_space<semaphore_mem>>)
        %add3A_419 = arith.addi %mul3A_2, %add3A_302 : i32
        %add3A_420 = arith.constant 6 : i32
        %add3A_421 = arith.addi %add3A_419, %add3A_420 : i32
        %dma_start3A_422 = arith.constant 0 : i32
        %dma_start3A_423 = tpu.memref_slice %arg5[%add3A_421, %dma_start3A_422] : memref<8064x40xi32, #tpu.memory_space<hbm>> -> memref<1x40xi32, #tpu.memory_space<hbm>>
        %dma_start3A_424 = tpu.memref_squeeze %dma_start3A_423 : memref<1x40xi32, #tpu.memory_space<hbm>> -> memref<40xi32, #tpu.memory_space<hbm>>
        %dma_start3A_425 = arith.constant 0 : i32
        %dma_start3A_426 = tpu.memref_slice %arg5[%add3A_421, %dma_start3A_425] : memref<8064x40xi32, #tpu.memory_space<hbm>> -> memref<1x40xi32, #tpu.memory_space<hbm>>
        %dma_start3A_427 = tpu.memref_squeeze %dma_start3A_426 : memref<1x40xi32, #tpu.memory_space<hbm>> -> memref<40xi32, #tpu.memory_space<hbm>>
        tpu.enqueue_dma source(%dma_start3A_427 : memref<40xi32, #tpu.memory_space<hbm>>) target(%arg27 : memref<40xi32, #tpu.memory_space<vmem>>) target_semaphore(%arg43 : memref<!tpu.dma_semaphore, #tpu.memory_space<semaphore_mem>>)
      } else {
      }
      %mul3A_336 = arith.constant 8 : i32
      %mul3A_337 = arith.muli %scan3A_115, %mul3A_336 : i32
      %add3A_338 = arith.constant 6 : i32
      %add3A_339 = arith.addi %mul3A_337, %add3A_338 : i32
      %dma_wait3A_340 = arith.constant 0 : i32
      %dma_wait3A_341 = tpu.memref_slice %arg4[%mul3A_2, %dma_wait3A_340] : memref<8064x40xi32, #tpu.memory_space<hbm>> -> memref<1x40xi32, #tpu.memory_space<hbm>>
      %dma_wait3A_342 = tpu.memref_squeeze %dma_wait3A_341 : memref<1x40xi32, #tpu.memory_space<hbm>> -> memref<40xi32, #tpu.memory_space<hbm>>
      %dma_wait3A_343 = arith.constant 0 : i32
      %dma_wait3A_344 = tpu.memref_slice %arg4[%mul3A_2, %dma_wait3A_343] : memref<8064x40xi32, #tpu.memory_space<hbm>> -> memref<1x40xi32, #tpu.memory_space<hbm>>
      %dma_wait3A_345 = tpu.memref_squeeze %dma_wait3A_344 : memref<1x40xi32, #tpu.memory_space<hbm>> -> memref<40xi32, #tpu.memory_space<hbm>>
      tpu.wait_dma2 semaphore(%arg38 : memref<!tpu.dma_semaphore, #tpu.memory_space<semaphore_mem>>) src(%dma_wait3A_345 : memref<40xi32, #tpu.memory_space<hbm>>) dst(%arg22 : memref<40xi32, #tpu.memory_space<vmem>>)
      %dma_wait3A_346 = arith.constant 0 : i32
      %dma_wait3A_347 = tpu.memref_slice %arg5[%mul3A_2, %dma_wait3A_346] : memref<8064x40xi32, #tpu.memory_space<hbm>> -> memref<1x40xi32, #tpu.memory_space<hbm>>
      %dma_wait3A_348 = tpu.memref_squeeze %dma_wait3A_347 : memref<1x40xi32, #tpu.memory_space<hbm>> -> memref<40xi32, #tpu.memory_space<hbm>>
      %dma_wait3A_349 = arith.constant 0 : i32
      %dma_wait3A_350 = tpu.memref_slice %arg5[%mul3A_2, %dma_wait3A_349] : memref<8064x40xi32, #tpu.memory_space<hbm>> -> memref<1x40xi32, #tpu.memory_space<hbm>>
      %dma_wait3A_351 = tpu.memref_squeeze %dma_wait3A_350 : memref<1x40xi32, #tpu.memory_space<hbm>> -> memref<40xi32, #tpu.memory_space<hbm>>
      tpu.wait_dma2 semaphore(%arg46 : memref<!tpu.dma_semaphore, #tpu.memory_space<semaphore_mem>>) src(%dma_wait3A_351 : memref<40xi32, #tpu.memory_space<hbm>>) dst(%arg30 : memref<40xi32, #tpu.memory_space<vmem>>)
      %ge3A_352 = arith.constant 2 : i32
      %ge3A_353 = arith.cmpi sge, %add3A_339, %ge3A_352 : i32
      %convert_element_type3A_354 = arith.extui %ge3A_353 : i1 to i32
      %cond3A_355 = arith.constant 0 : i32
      %cond3A_356 = arith.cmpi ne, %convert_element_type3A_354, %cond3A_355 : i32
      scf.if %cond3A_356 {
        %dma_wait3A_410 = arith.constant 0 : i32
        %dma_wait3A_411 = arith.constant 0 : i32
        %dma_wait3A_412 = tpu.memref_slice %arg11[%dma_wait3A_410, %dma_wait3A_411] : memref<10112x96xf32, #tpu.memory_space<vmem_shared>> -> memref<10112x96xf32, #tpu.memory_space<vmem_shared>>
        tpu.wait_indirect_dma semaphore(%arg14 : memref<!tpu.dma_semaphore, #tpu.memory_space<semaphore_mem>>) src(%arg8 : memref<40x96xf32, #tpu.memory_space<vmem>>) dst(%dma_wait3A_412 : memref<10112x96xf32, #tpu.memory_space<vmem_shared>>)
      } else {
      }
      %dma_start3A_357 = arith.constant 0 : i32
      %dma_start3A_358 = arith.constant 0 : i32
      %dma_start3A_359 = tpu.memref_slice %arg10[%dma_start3A_357, %dma_start3A_358] : memref<10112x96xf32, #tpu.memory_space<vmem_shared>> -> memref<10112x96xf32, #tpu.memory_space<vmem_shared>>
      tpu.enqueue_indirect_dma source(%dma_start3A_359 : memref<10112x96xf32, #tpu.memory_space<vmem_shared>>) target(%arg8 : memref<40x96xf32, #tpu.memory_space<vmem>>) offsets(%arg22 : memref<40xi32, #tpu.memory_space<vmem>>) semaphore(%arg12 : memref<!tpu.dma_semaphore, #tpu.memory_space<semaphore_mem>>)
      %dma_wait3A_360 = arith.constant 0 : i32
      %dma_wait3A_361 = arith.constant 0 : i32
      %dma_wait3A_362 = tpu.memref_slice %arg10[%dma_wait3A_360, %dma_wait3A_361] : memref<10112x96xf32, #tpu.memory_space<vmem_shared>> -> memref<10112x96xf32, #tpu.memory_space<vmem_shared>>
      tpu.wait_indirect_dma semaphore(%arg12 : memref<!tpu.dma_semaphore, #tpu.memory_space<semaphore_mem>>) src(%dma_wait3A_362 : memref<10112x96xf32, #tpu.memory_space<vmem_shared>>) dst(%arg8 : memref<40x96xf32, #tpu.memory_space<vmem>>)
      %dma_start3A_363 = arith.constant 0 : i32
      %dma_start3A_364 = arith.constant 0 : i32
      %dma_start3A_365 = tpu.memref_slice %arg11[%dma_start3A_363, %dma_start3A_364] : memref<10112x96xf32, #tpu.memory_space<vmem_shared>> -> memref<10112x96xf32, #tpu.memory_space<vmem_shared>>
      tpu.enqueue_indirect_dma source(%arg8 : memref<40x96xf32, #tpu.memory_space<vmem>>) target(%dma_start3A_365 : memref<10112x96xf32, #tpu.memory_space<vmem_shared>>) offsets(%arg30 : memref<40xi32, #tpu.memory_space<vmem>>) semaphore(%arg14 : memref<!tpu.dma_semaphore, #tpu.memory_space<semaphore_mem>>) {add = true}
      %add3A_366 = arith.constant 6 : i32
      %add3A_367 = arith.addi %add3A_339, %add3A_366 : i32
      %lt3A_368 = arith.constant 504 : i32
      %lt3A_369 = arith.cmpi slt, %add3A_367, %lt3A_368 : i32
      %convert_element_type3A_370 = arith.extui %lt3A_369 : i1 to i32
      %cond3A_371 = arith.constant 0 : i32
      %cond3A_372 = arith.cmpi ne, %convert_element_type3A_370, %cond3A_371 : i32
      scf.if %cond3A_372 {
        %add3A_410 = arith.addi %mul3A_2, %add3A_339 : i32
        %add3A_411 = arith.constant 6 : i32
        %add3A_412 = arith.addi %add3A_410, %add3A_411 : i32
        %dma_start3A_413 = arith.constant 0 : i32
        %dma_start3A_414 = tpu.memref_slice %arg4[%add3A_412, %dma_start3A_413] : memref<8064x40xi32, #tpu.memory_space<hbm>> -> memref<1x40xi32, #tpu.memory_space<hbm>>
        %dma_start3A_415 = tpu.memref_squeeze %dma_start3A_414 : memref<1x40xi32, #tpu.memory_space<hbm>> -> memref<40xi32, #tpu.memory_space<hbm>>
        %dma_start3A_416 = arith.constant 0 : i32
        %dma_start3A_417 = tpu.memref_slice %arg4[%add3A_412, %dma_start3A_416] : memref<8064x40xi32, #tpu.memory_space<hbm>> -> memref<1x40xi32, #tpu.memory_space<hbm>>
        %dma_start3A_418 = tpu.memref_squeeze %dma_start3A_417 : memref<1x40xi32, #tpu.memory_space<hbm>> -> memref<40xi32, #tpu.memory_space<hbm>>
        tpu.enqueue_dma source(%dma_start3A_418 : memref<40xi32, #tpu.memory_space<hbm>>) target(%arg20 : memref<40xi32, #tpu.memory_space<vmem>>) target_semaphore(%arg36 : memref<!tpu.dma_semaphore, #tpu.memory_space<semaphore_mem>>)
        %add3A_419 = arith.addi %mul3A_2, %add3A_339 : i32
        %add3A_420 = arith.constant 6 : i32
        %add3A_421 = arith.addi %add3A_419, %add3A_420 : i32
        %dma_start3A_422 = arith.constant 0 : i32
        %dma_start3A_423 = tpu.memref_slice %arg5[%add3A_421, %dma_start3A_422] : memref<8064x40xi32, #tpu.memory_space<hbm>> -> memref<1x40xi32, #tpu.memory_space<hbm>>
        %dma_start3A_424 = tpu.memref_squeeze %dma_start3A_423 : memref<1x40xi32, #tpu.memory_space<hbm>> -> memref<40xi32, #tpu.memory_space<hbm>>
        %dma_start3A_425 = arith.constant 0 : i32
        %dma_start3A_426 = tpu.memref_slice %arg5[%add3A_421, %dma_start3A_425] : memref<8064x40xi32, #tpu.memory_space<hbm>> -> memref<1x40xi32, #tpu.memory_space<hbm>>
        %dma_start3A_427 = tpu.memref_squeeze %dma_start3A_426 : memref<1x40xi32, #tpu.memory_space<hbm>> -> memref<40xi32, #tpu.memory_space<hbm>>
        tpu.enqueue_dma source(%dma_start3A_427 : memref<40xi32, #tpu.memory_space<hbm>>) target(%arg28 : memref<40xi32, #tpu.memory_space<vmem>>) target_semaphore(%arg44 : memref<!tpu.dma_semaphore, #tpu.memory_space<semaphore_mem>>)
      } else {
      }
      %mul3A_373 = arith.constant 8 : i32
      %mul3A_374 = arith.muli %scan3A_115, %mul3A_373 : i32
      %add3A_375 = arith.constant 7 : i32
      %add3A_376 = arith.addi %mul3A_374, %add3A_375 : i32
      %dma_wait3A_377 = arith.constant 0 : i32
      %dma_wait3A_378 = tpu.memref_slice %arg4[%mul3A_2, %dma_wait3A_377] : memref<8064x40xi32, #tpu.memory_space<hbm>> -> memref<1x40xi32, #tpu.memory_space<hbm>>
      %dma_wait3A_379 = tpu.memref_squeeze %dma_wait3A_378 : memref<1x40xi32, #tpu.memory_space<hbm>> -> memref<40xi32, #tpu.memory_space<hbm>>
      %dma_wait3A_380 = arith.constant 0 : i32
      %dma_wait3A_381 = tpu.memref_slice %arg4[%mul3A_2, %dma_wait3A_380] : memref<8064x40xi32, #tpu.memory_space<hbm>> -> memref<1x40xi32, #tpu.memory_space<hbm>>
      %dma_wait3A_382 = tpu.memref_squeeze %dma_wait3A_381 : memref<1x40xi32, #tpu.memory_space<hbm>> -> memref<40xi32, #tpu.memory_space<hbm>>
      tpu.wait_dma2 semaphore(%arg39 : memref<!tpu.dma_semaphore, #tpu.memory_space<semaphore_mem>>) src(%dma_wait3A_382 : memref<40xi32, #tpu.memory_space<hbm>>) dst(%arg23 : memref<40xi32, #tpu.memory_space<vmem>>)
      %dma_wait3A_383 = arith.constant 0 : i32
      %dma_wait3A_384 = tpu.memref_slice %arg5[%mul3A_2, %dma_wait3A_383] : memref<8064x40xi32, #tpu.memory_space<hbm>> -> memref<1x40xi32, #tpu.memory_space<hbm>>
      %dma_wait3A_385 = tpu.memref_squeeze %dma_wait3A_384 : memref<1x40xi32, #tpu.memory_space<hbm>> -> memref<40xi32, #tpu.memory_space<hbm>>
      %dma_wait3A_386 = arith.constant 0 : i32
      %dma_wait3A_387 = tpu.memref_slice %arg5[%mul3A_2, %dma_wait3A_386] : memref<8064x40xi32, #tpu.memory_space<hbm>> -> memref<1x40xi32, #tpu.memory_space<hbm>>
      %dma_wait3A_388 = tpu.memref_squeeze %dma_wait3A_387 : memref<1x40xi32, #tpu.memory_space<hbm>> -> memref<40xi32, #tpu.memory_space<hbm>>
      tpu.wait_dma2 semaphore(%arg47 : memref<!tpu.dma_semaphore, #tpu.memory_space<semaphore_mem>>) src(%dma_wait3A_388 : memref<40xi32, #tpu.memory_space<hbm>>) dst(%arg31 : memref<40xi32, #tpu.memory_space<vmem>>)
      %ge3A_389 = arith.constant 2 : i32
      %ge3A_390 = arith.cmpi sge, %add3A_376, %ge3A_389 : i32
      %convert_element_type3A_391 = arith.extui %ge3A_390 : i1 to i32
      %cond3A_392 = arith.constant 0 : i32
      %cond3A_393 = arith.cmpi ne, %convert_element_type3A_391, %cond3A_392 : i32
      scf.if %cond3A_393 {
        %dma_wait3A_410 = arith.constant 0 : i32
        %dma_wait3A_411 = arith.constant 0 : i32
        %dma_wait3A_412 = tpu.memref_slice %arg11[%dma_wait3A_410, %dma_wait3A_411] : memref<10112x96xf32, #tpu.memory_space<vmem_shared>> -> memref<10112x96xf32, #tpu.memory_space<vmem_shared>>
        tpu.wait_indirect_dma semaphore(%arg15 : memref<!tpu.dma_semaphore, #tpu.memory_space<semaphore_mem>>) src(%arg9 : memref<40x96xf32, #tpu.memory_space<vmem>>) dst(%dma_wait3A_412 : memref<10112x96xf32, #tpu.memory_space<vmem_shared>>)
      } else {
      }
      %dma_start3A_394 = arith.constant 0 : i32
      %dma_start3A_395 = arith.constant 0 : i32
      %dma_start3A_396 = tpu.memref_slice %arg10[%dma_start3A_394, %dma_start3A_395] : memref<10112x96xf32, #tpu.memory_space<vmem_shared>> -> memref<10112x96xf32, #tpu.memory_space<vmem_shared>>
      tpu.enqueue_indirect_dma source(%dma_start3A_396 : memref<10112x96xf32, #tpu.memory_space<vmem_shared>>) target(%arg9 : memref<40x96xf32, #tpu.memory_space<vmem>>) offsets(%arg23 : memref<40xi32, #tpu.memory_space<vmem>>) semaphore(%arg13 : memref<!tpu.dma_semaphore, #tpu.memory_space<semaphore_mem>>)
      %dma_wait3A_397 = arith.constant 0 : i32
      %dma_wait3A_398 = arith.constant 0 : i32
      %dma_wait3A_399 = tpu.memref_slice %arg10[%dma_wait3A_397, %dma_wait3A_398] : memref<10112x96xf32, #tpu.memory_space<vmem_shared>> -> memref<10112x96xf32, #tpu.memory_space<vmem_shared>>
      tpu.wait_indirect_dma semaphore(%arg13 : memref<!tpu.dma_semaphore, #tpu.memory_space<semaphore_mem>>) src(%dma_wait3A_399 : memref<10112x96xf32, #tpu.memory_space<vmem_shared>>) dst(%arg9 : memref<40x96xf32, #tpu.memory_space<vmem>>)
      %dma_start3A_400 = arith.constant 0 : i32
      %dma_start3A_401 = arith.constant 0 : i32
      %dma_start3A_402 = tpu.memref_slice %arg11[%dma_start3A_400, %dma_start3A_401] : memref<10112x96xf32, #tpu.memory_space<vmem_shared>> -> memref<10112x96xf32, #tpu.memory_space<vmem_shared>>
      tpu.enqueue_indirect_dma source(%arg9 : memref<40x96xf32, #tpu.memory_space<vmem>>) target(%dma_start3A_402 : memref<10112x96xf32, #tpu.memory_space<vmem_shared>>) offsets(%arg31 : memref<40xi32, #tpu.memory_space<vmem>>) semaphore(%arg15 : memref<!tpu.dma_semaphore, #tpu.memory_space<semaphore_mem>>) {add = true}
      %add3A_403 = arith.constant 6 : i32
      %add3A_404 = arith.addi %add3A_376, %add3A_403 : i32
      %lt3A_405 = arith.constant 504 : i32
      %lt3A_406 = arith.cmpi slt, %add3A_404, %lt3A_405 : i32
      %convert_element_type3A_407 = arith.extui %lt3A_406 : i1 to i32
      %cond3A_408 = arith.constant 0 : i32
      %cond3A_409 = arith.cmpi ne, %convert_element_type3A_407, %cond3A_408 : i32
      scf.if %cond3A_409 {
        %add3A_410 = arith.addi %mul3A_2, %add3A_376 : i32
        %add3A_411 = arith.constant 6 : i32
        %add3A_412 = arith.addi %add3A_410, %add3A_411 : i32
        %dma_start3A_413 = arith.constant 0 : i32
        %dma_start3A_414 = tpu.memref_slice %arg4[%add3A_412, %dma_start3A_413] : memref<8064x40xi32, #tpu.memory_space<hbm>> -> memref<1x40xi32, #tpu.memory_space<hbm>>
        %dma_start3A_415 = tpu.memref_squeeze %dma_start3A_414 : memref<1x40xi32, #tpu.memory_space<hbm>> -> memref<40xi32, #tpu.memory_space<hbm>>
        %dma_start3A_416 = arith.constant 0 : i32
        %dma_start3A_417 = tpu.memref_slice %arg4[%add3A_412, %dma_start3A_416] : memref<8064x40xi32, #tpu.memory_space<hbm>> -> memref<1x40xi32, #tpu.memory_space<hbm>>
        %dma_start3A_418 = tpu.memref_squeeze %dma_start3A_417 : memref<1x40xi32, #tpu.memory_space<hbm>> -> memref<40xi32, #tpu.memory_space<hbm>>
        tpu.enqueue_dma source(%dma_start3A_418 : memref<40xi32, #tpu.memory_space<hbm>>) target(%arg21 : memref<40xi32, #tpu.memory_space<vmem>>) target_semaphore(%arg37 : memref<!tpu.dma_semaphore, #tpu.memory_space<semaphore_mem>>)
        %add3A_419 = arith.addi %mul3A_2, %add3A_376 : i32
        %add3A_420 = arith.constant 6 : i32
        %add3A_421 = arith.addi %add3A_419, %add3A_420 : i32
        %dma_start3A_422 = arith.constant 0 : i32
        %dma_start3A_423 = tpu.memref_slice %arg5[%add3A_421, %dma_start3A_422] : memref<8064x40xi32, #tpu.memory_space<hbm>> -> memref<1x40xi32, #tpu.memory_space<hbm>>
        %dma_start3A_424 = tpu.memref_squeeze %dma_start3A_423 : memref<1x40xi32, #tpu.memory_space<hbm>> -> memref<40xi32, #tpu.memory_space<hbm>>
        %dma_start3A_425 = arith.constant 0 : i32
        %dma_start3A_426 = tpu.memref_slice %arg5[%add3A_421, %dma_start3A_425] : memref<8064x40xi32, #tpu.memory_space<hbm>> -> memref<1x40xi32, #tpu.memory_space<hbm>>
        %dma_start3A_427 = tpu.memref_squeeze %dma_start3A_426 : memref<1x40xi32, #tpu.memory_space<hbm>> -> memref<40xi32, #tpu.memory_space<hbm>>
        tpu.enqueue_dma source(%dma_start3A_427 : memref<40xi32, #tpu.memory_space<hbm>>) target(%arg29 : memref<40xi32, #tpu.memory_space<vmem>>) target_semaphore(%arg45 : memref<!tpu.dma_semaphore, #tpu.memory_space<semaphore_mem>>)
      } else {
      }
    }
    %scan3A_108 = arith.constant 63 : i32
    %dma_wait3A = arith.constant 0 : i32
    %dma_wait3A_109 = arith.constant 0 : i32
    %dma_wait3A_110 = tpu.memref_slice %arg11[%dma_wait3A, %dma_wait3A_109] : memref<10112x96xf32, #tpu.memory_space<vmem_shared>> -> memref<10112x96xf32, #tpu.memory_space<vmem_shared>>
    tpu.wait_indirect_dma semaphore(%arg14 : memref<!tpu.dma_semaphore, #tpu.memory_space<semaphore_mem>>) src(%arg8 : memref<40x96xf32, #tpu.memory_space<vmem>>) dst(%dma_wait3A_110 : memref<10112x96xf32, #tpu.memory_space<vmem_shared>>)
    %dma_wait3A_111 = arith.constant 0 : i32
    %dma_wait3A_112 = arith.constant 0 : i32
    %dma_wait3A_113 = tpu.memref_slice %arg11[%dma_wait3A_111, %dma_wait3A_112] : memref<10112x96xf32, #tpu.memory_space<vmem_shared>> -> memref<10112x96xf32, #tpu.memory_space<vmem_shared>>
    tpu.wait_indirect_dma semaphore(%arg15 : memref<!tpu.dma_semaphore, #tpu.memory_space<semaphore_mem>>) src(%arg9 : memref<40x96xf32, #tpu.memory_space<vmem>>) dst(%dma_wait3A_113 : memref<10112x96xf32, #tpu.memory_space<vmem_shared>>)
    %barrier3A_114 = arith.constant 0 : index
    tpu.barrier barrier_id(%barrier3A_114)
    "tpu.region"() ({
      %run_scoped3A = tpu.sem_alloc : memref<!tpu.dma_semaphore, #tpu.memory_space<semaphore_mem>>
      %dma_start3A_115 = arith.constant 0 : i32
      %dma_start3A_116 = tpu.memref_slice %arg7[%arg0, %mul3A_0, %dma_start3A_115] : memref<2x10112x96xf32, #tpu.memory_space<hbm>> -> memref<1x632x96xf32, #tpu.memory_space<hbm>>
      %dma_start3A_117 = tpu.memref_squeeze %dma_start3A_116 : memref<1x632x96xf32, #tpu.memory_space<hbm>> -> memref<632x96xf32, #tpu.memory_space<hbm>>
      %dma_start3A_118 = arith.constant 0 : i32
      %dma_start3A_119 = tpu.memref_slice %arg11[%mul3A_0, %dma_start3A_118] : memref<10112x96xf32, #tpu.memory_space<vmem_shared>> -> memref<632x96xf32, #tpu.memory_space<vmem_shared>>
      tpu.enqueue_dma source(%dma_start3A_119 : memref<632x96xf32, #tpu.memory_space<vmem_shared>>) target(%dma_start3A_117 : memref<632x96xf32, #tpu.memory_space<hbm>>) target_semaphore(%run_scoped3A : memref<!tpu.dma_semaphore, #tpu.memory_space<semaphore_mem>>)
      %dma_wait3A_120 = arith.constant 0 : i32
      %dma_wait3A_121 = tpu.memref_slice %arg7[%arg0, %mul3A_0, %dma_wait3A_120] : memref<2x10112x96xf32, #tpu.memory_space<hbm>> -> memref<1x632x96xf32, #tpu.memory_space<hbm>>
      %dma_wait3A_122 = tpu.memref_squeeze %dma_wait3A_121 : memref<1x632x96xf32, #tpu.memory_space<hbm>> -> memref<632x96xf32, #tpu.memory_space<hbm>>
      %dma_wait3A_123 = arith.constant 0 : i32
      %dma_wait3A_124 = tpu.memref_slice %arg11[%mul3A_0, %dma_wait3A_123] : memref<10112x96xf32, #tpu.memory_space<vmem_shared>> -> memref<632x96xf32, #tpu.memory_space<vmem_shared>>
      tpu.wait_dma2 semaphore(%run_scoped3A : memref<!tpu.dma_semaphore, #tpu.memory_space<semaphore_mem>>) src(%dma_wait3A_124 : memref<632x96xf32, #tpu.memory_space<vmem_shared>>) dst(%dma_wait3A_122 : memref<632x96xf32, #tpu.memory_space<hbm>>)
      tpu.yield
    }) : () -> ()
    return
  }
}

module attributes {stable_mosaic.version = 14 : i64} {
  func.func @_mlp_body(%arg0: i32, %arg1: i32, %arg2: memref<2000x128xf32, #tpu.memory_space<vmem>>, %arg3: memref<2000x64xf32, #tpu.memory_space<vmem>>, %arg4: memref<1x2000x96xf32, #tpu.memory_space<vmem>>, %arg5: memref<1x2000x96xf32, #tpu.memory_space<vmem>>, %arg6: memref<1x1xf32, #tpu.memory_space<vmem>>, %arg7: memref<128x256xf32, #tpu.memory_space<vmem>>, %arg8: memref<16x256xf32, #tpu.memory_space<vmem>>, %arg9: memref<1x256xf32, #tpu.memory_space<vmem>>, %arg10: memref<1x256xf32, #tpu.memory_space<vmem>>, %arg11: memref<1x256xf32, #tpu.memory_space<vmem>>, %arg12: memref<256x128xf32, #tpu.memory_space<vmem>>, %arg13: memref<1x128xf32, #tpu.memory_space<vmem>>, %arg14: memref<2000x512xf32, #tpu.memory_space<vmem>>, %arg15: memref<10000x192xf32, #tpu.memory_space<vmem>>, %arg16: memref<8x256xf32, #tpu.memory_space<vmem>>) attributes {dimension_semantics = [#tpu.dimension_semantics<arbitrary>, #tpu.dimension_semantics<arbitrary>], iteration_bounds = array<i64: 2, 5>, scalar_prefetch = 0 : i64, scratch_operands = 2 : i64, tpu.core_type = #tpu.core_type<tc>, window_params = [{transform_indices = @transform_0, window_bounds = array<i64: 2000, 128>}, {transform_indices = @transform_1, window_bounds = array<i64: 2000, 64>}, {transform_indices = @transform_2, window_bounds = array<i64: 1, 2000, 96>}, {transform_indices = @transform_3, window_bounds = array<i64: 1, 2000, 96>}, {pipeline_mode = #tpu.pipeline_mode<synchronous>, transform_indices = @transform_4, window_bounds = array<i64: 1, 1>}, {pipeline_mode = #tpu.pipeline_mode<synchronous>, transform_indices = @transform_5, window_bounds = array<i64: 128, 256>}, {pipeline_mode = #tpu.pipeline_mode<synchronous>, transform_indices = @transform_6, window_bounds = array<i64: 16, 256>}, {pipeline_mode = #tpu.pipeline_mode<synchronous>, transform_indices = @transform_7, window_bounds = array<i64: 1, 256>}, {pipeline_mode = #tpu.pipeline_mode<synchronous>, transform_indices = @transform_8, window_bounds = array<i64: 1, 256>}, {pipeline_mode = #tpu.pipeline_mode<synchronous>, transform_indices = @transform_9, window_bounds = array<i64: 1, 256>}, {pipeline_mode = #tpu.pipeline_mode<synchronous>, transform_indices = @transform_10, window_bounds = array<i64: 256, 128>}, {pipeline_mode = #tpu.pipeline_mode<synchronous>, transform_indices = @transform_11, window_bounds = array<i64: 1, 128>}, {transform_indices = @transform_12, window_bounds = array<i64: 2000, 512>}]} {
    %get3A = arith.constant 0 : index
    %get3A_0 = arith.constant 0 : index
    %get3A_1 = vector.load %arg6[%get3A, %get3A_0] : memref<1x1xf32, #tpu.memory_space<vmem>>, vector<1x1xf32>
    %get3A_2 = vector.extract %get3A_1[0, 0] : f32 from vector<1x1xf32>
    %add3A = arith.constant 1.000000e+00 : f32
    %add3A_3 = arith.addf %add3A, %get3A_2 : f32
    %eq3A = arith.constant 0 : i32
    %eq3A_4 = arith.cmpi eq, %arg0, %eq3A : i32
    %convert_element_type3A = arith.extui %eq3A_4 : i1 to i32
    %cond3A = arith.constant 0 : i32
    %cond3A_5 = arith.cmpi ne, %convert_element_type3A, %cond3A : i32
    scf.if %cond3A_5 {
      %get3A_11 = arith.constant 0 : index
      %get3A_12 = arith.constant 0 : index
      %get3A_13 = arith.constant 0 : index
      %get3A_14 = vector.load %arg4[%get3A_11, %get3A_12, %get3A_13] : memref<1x2000x96xf32, #tpu.memory_space<vmem>>, vector<1x2000x96xf32>
      %get3A_15 = vector.shape_cast %get3A_14 : vector<1x2000x96xf32> to vector<2000x96xf32>
      %get3A_16 = arith.constant 0 : index
      %get3A_17 = arith.constant 0 : index
      %get3A_18 = arith.constant 0 : index
      %get3A_19 = vector.load %arg5[%get3A_16, %get3A_17, %get3A_18] : memref<1x2000x96xf32, #tpu.memory_space<vmem>>, vector<1x2000x96xf32>
      %get3A_20 = vector.shape_cast %get3A_19 : vector<1x2000x96xf32> to vector<2000x96xf32>
      %concatenate3A = tpu.concatenate %get3A_15, %get3A_20 in 1 : vector<2000x96xf32>, vector<2000x96xf32> -> vector<2000x192xf32>
      %get3A_21 = arith.constant 0 : index
      %get3A_22 = arith.constant 0 : index
      %get3A_23 = vector.load %arg2[%get3A_21, %get3A_22] : memref<2000x128xf32, #tpu.memory_space<vmem>>, vector<2000x128xf32>
      %get3A_24 = arith.constant 0 : index
      %get3A_25 = arith.constant 0 : index
      %get3A_26 = vector.load %arg3[%get3A_24, %get3A_25] : memref<2000x64xf32, #tpu.memory_space<vmem>>, vector<2000x64xf32>
      %concatenate3A_27 = tpu.concatenate %get3A_23, %get3A_26 in 1 : vector<2000x128xf32>, vector<2000x64xf32> -> vector<2000x192xf32>
      %mul3A = vector.broadcast %add3A_3 : f32 to vector<2000x192xf32>
      %mul3A_28 = arith.mulf %mul3A, %concatenate3A_27 : vector<2000x192xf32>
      %add3A_29 = arith.addf %mul3A_28, %concatenate3A : vector<2000x192xf32>
      %mul3A_30 = arith.constant 2000 : i32
      %mul3A_31 = arith.muli %arg1, %mul3A_30 : i32
      %swap3A = arith.index_cast %mul3A_31 : i32 to index
      %swap3A_32 = arith.constant 0 : index
      %swap3A_33 = vector.load %arg15[%swap3A, %swap3A_32] : memref<10000x192xf32, #tpu.memory_space<vmem>>, vector<2000x192xf32>
      tpu.vector_store %arg15[%swap3A, %swap3A_32], %add3A_29 {strides = array<i32>} : memref<10000x192xf32, #tpu.memory_space<vmem>>, vector<2000x192xf32>,
      %slice3A = vector.extract_strided_slice %add3A_29 {offsets = [0, 0], sizes = [2000, 128], strides = [1, 1]} : vector<2000x192xf32> to vector<2000x128xf32>
      %get3A_34 = arith.constant 0 : index
      %get3A_35 = arith.constant 0 : index
      %get3A_36 = vector.load %arg7[%get3A_34, %get3A_35] : memref<128x256xf32, #tpu.memory_space<vmem>>, vector<128x256xf32>
      %dot_general3A = arith.constant dense<0.000000e+00> : vector<2000x256xf32>
      %dot_general3A_37 = tpu.matmul %slice3A, %get3A_36, %dot_general3A {dimension_numbers = #tpu.dot_dimension_numbers<[1], [0], [0], [1], [0, 0, 1, 1], [], []>, transpose_lhs_hint = false} : vector<2000x128xf32>, vector<128x256xf32>, vector<2000x256xf32> -> vector<2000x256xf32>
      %broadcast_in_dim3A = arith.constant 0.000000e+00 : f32
      %broadcast_in_dim3A_38 = vector.broadcast %broadcast_in_dim3A : f32 to vector<256xf32>
      %broadcast_in_dim3A_39 = arith.constant 0.000000e+00 : f32
      %broadcast_in_dim3A_40 = vector.broadcast %broadcast_in_dim3A_39 : f32 to vector<256xf32>
      %slice3A_41 = vector.extract_strided_slice %add3A_29 {offsets = [0, 128], sizes = [2000, 16], strides = [1, 1]} : vector<2000x192xf32> to vector<2000x16xf32>
      %get3A_42 = arith.constant 0 : index
      %get3A_43 = arith.constant 0 : index
      %get3A_44 = vector.load %arg8[%get3A_42, %get3A_43] : memref<16x256xf32, #tpu.memory_space<vmem>>, vector<16x256xf32>
      %dot_general3A_45 = arith.constant dense<0.000000e+00> : vector<2000x256xf32>
      %dot_general3A_46 = tpu.matmul %slice3A_41, %get3A_44, %dot_general3A_45 {dimension_numbers = #tpu.dot_dimension_numbers<[1], [0], [0], [1], [0, 0, 1, 1], [], []>, transpose_lhs_hint = false} : vector<2000x16xf32>, vector<16x256xf32>, vector<2000x256xf32> -> vector<2000x256xf32>
      %add3A_47 = arith.addf %dot_general3A_37, %dot_general3A_46 : vector<2000x256xf32>
      %get3A_48 = arith.constant 0 : index
      %get3A_49 = arith.constant 0 : index
      %get3A_50 = vector.load %arg9[%get3A_48, %get3A_49] : memref<1x256xf32, #tpu.memory_space<vmem>>, vector<1x256xf32>
      %get3A_51 = vector.shape_cast %get3A_50 : vector<1x256xf32> to vector<256xf32>
      %broadcast_in_dim3A_52 = vector.shape_cast %get3A_51 : vector<256xf32> to vector<1x256xf32>
      %add3A_53 = vector.broadcast %broadcast_in_dim3A_52 : vector<1x256xf32> to vector<2000x256xf32>
      %add3A_54 = arith.addf %add3A_47, %add3A_53 : vector<2000x256xf32>
      %reduce_sum3A = arith.constant dense<0.000000e+00> : vector<256xf32>
      %reduce_sum3A_55 = vector.multi_reduction <add>, %add3A_54, %reduce_sum3A [0] : vector<2000x256xf32> to vector<256xf32>
      %add3A_56 = arith.addf %broadcast_in_dim3A_38, %reduce_sum3A_55 : vector<256xf32>
      %mul3A_57 = arith.mulf %add3A_54, %add3A_54 : vector<2000x256xf32>
      %reduce_sum3A_58 = arith.constant dense<0.000000e+00> : vector<256xf32>
      %reduce_sum3A_59 = vector.multi_reduction <add>, %mul3A_57, %reduce_sum3A_58 [0] : vector<2000x256xf32> to vector<256xf32>
      %add3A_60 = arith.addf %broadcast_in_dim3A_40, %reduce_sum3A_59 : vector<256xf32>
      %slice3A_61 = vector.extract_strided_slice %add3A_29 {offsets = [0, 144], sizes = [2000, 16], strides = [1, 1]} : vector<2000x192xf32> to vector<2000x16xf32>
      %get3A_62 = arith.constant 0 : index
      %get3A_63 = arith.constant 0 : index
      %get3A_64 = vector.load %arg8[%get3A_62, %get3A_63] : memref<16x256xf32, #tpu.memory_space<vmem>>, vector<16x256xf32>
      %dot_general3A_65 = arith.constant dense<0.000000e+00> : vector<2000x256xf32>
      %dot_general3A_66 = tpu.matmul %slice3A_61, %get3A_64, %dot_general3A_65 {dimension_numbers = #tpu.dot_dimension_numbers<[1], [0], [0], [1], [0, 0, 1, 1], [], []>, transpose_lhs_hint = false} : vector<2000x16xf32>, vector<16x256xf32>, vector<2000x256xf32> -> vector<2000x256xf32>
      %add3A_67 = arith.addf %dot_general3A_37, %dot_general3A_66 : vector<2000x256xf32>
      %get3A_68 = arith.constant 0 : index
      %get3A_69 = arith.constant 0 : index
      %get3A_70 = vector.load %arg9[%get3A_68, %get3A_69] : memref<1x256xf32, #tpu.memory_space<vmem>>, vector<1x256xf32>
      %get3A_71 = vector.shape_cast %get3A_70 : vector<1x256xf32> to vector<256xf32>
      %broadcast_in_dim3A_72 = vector.shape_cast %get3A_71 : vector<256xf32> to vector<1x256xf32>
      %add3A_73 = vector.broadcast %broadcast_in_dim3A_72 : vector<1x256xf32> to vector<2000x256xf32>
      %add3A_74 = arith.addf %add3A_67, %add3A_73 : vector<2000x256xf32>
      %reduce_sum3A_75 = arith.constant dense<0.000000e+00> : vector<256xf32>
      %reduce_sum3A_76 = vector.multi_reduction <add>, %add3A_74, %reduce_sum3A_75 [0] : vector<2000x256xf32> to vector<256xf32>
      %add3A_77 = arith.addf %add3A_56, %reduce_sum3A_76 : vector<256xf32>
      %mul3A_78 = arith.mulf %add3A_74, %add3A_74 : vector<2000x256xf32>
      %reduce_sum3A_79 = arith.constant dense<0.000000e+00> : vector<256xf32>
      %reduce_sum3A_80 = vector.multi_reduction <add>, %mul3A_78, %reduce_sum3A_79 [0] : vector<2000x256xf32> to vector<256xf32>
      %add3A_81 = arith.addf %add3A_60, %reduce_sum3A_80 : vector<256xf32>
      %slice3A_82 = vector.extract_strided_slice %add3A_29 {offsets = [0, 160], sizes = [2000, 16], strides = [1, 1]} : vector<2000x192xf32> to vector<2000x16xf32>
      %get3A_83 = arith.constant 0 : index
      %get3A_84 = arith.constant 0 : index
      %get3A_85 = vector.load %arg8[%get3A_83, %get3A_84] : memref<16x256xf32, #tpu.memory_space<vmem>>, vector<16x256xf32>
      %dot_general3A_86 = arith.constant dense<0.000000e+00> : vector<2000x256xf32>
      %dot_general3A_87 = tpu.matmul %slice3A_82, %get3A_85, %dot_general3A_86 {dimension_numbers = #tpu.dot_dimension_numbers<[1], [0], [0], [1], [0, 0, 1, 1], [], []>, transpose_lhs_hint = false} : vector<2000x16xf32>, vector<16x256xf32>, vector<2000x256xf32> -> vector<2000x256xf32>
      %add3A_88 = arith.addf %dot_general3A_37, %dot_general3A_87 : vector<2000x256xf32>
      %get3A_89 = arith.constant 0 : index
      %get3A_90 = arith.constant 0 : index
      %get3A_91 = vector.load %arg9[%get3A_89, %get3A_90] : memref<1x256xf32, #tpu.memory_space<vmem>>, vector<1x256xf32>
      %get3A_92 = vector.shape_cast %get3A_91 : vector<1x256xf32> to vector<256xf32>
      %broadcast_in_dim3A_93 = vector.shape_cast %get3A_92 : vector<256xf32> to vector<1x256xf32>
      %add3A_94 = vector.broadcast %broadcast_in_dim3A_93 : vector<1x256xf32> to vector<2000x256xf32>
      %add3A_95 = arith.addf %add3A_88, %add3A_94 : vector<2000x256xf32>
      %reduce_sum3A_96 = arith.constant dense<0.000000e+00> : vector<256xf32>
      %reduce_sum3A_97 = vector.multi_reduction <add>, %add3A_95, %reduce_sum3A_96 [0] : vector<2000x256xf32> to vector<256xf32>
      %add3A_98 = arith.addf %add3A_77, %reduce_sum3A_97 : vector<256xf32>
      %mul3A_99 = arith.mulf %add3A_95, %add3A_95 : vector<2000x256xf32>
      %reduce_sum3A_100 = arith.constant dense<0.000000e+00> : vector<256xf32>
      %reduce_sum3A_101 = vector.multi_reduction <add>, %mul3A_99, %reduce_sum3A_100 [0] : vector<2000x256xf32> to vector<256xf32>
      %add3A_102 = arith.addf %add3A_81, %reduce_sum3A_101 : vector<256xf32>
      %slice3A_103 = vector.extract_strided_slice %add3A_29 {offsets = [0, 176], sizes = [2000, 16], strides = [1, 1]} : vector<2000x192xf32> to vector<2000x16xf32>
      %get3A_104 = arith.constant 0 : index
      %get3A_105 = arith.constant 0 : index
      %get3A_106 = vector.load %arg8[%get3A_104, %get3A_105] : memref<16x256xf32, #tpu.memory_space<vmem>>, vector<16x256xf32>
      %dot_general3A_107 = arith.constant dense<0.000000e+00> : vector<2000x256xf32>
      %dot_general3A_108 = tpu.matmul %slice3A_103, %get3A_106, %dot_general3A_107 {dimension_numbers = #tpu.dot_dimension_numbers<[1], [0], [0], [1], [0, 0, 1, 1], [], []>, transpose_lhs_hint = false} : vector<2000x16xf32>, vector<16x256xf32>, vector<2000x256xf32> -> vector<2000x256xf32>
      %add3A_109 = arith.addf %dot_general3A_37, %dot_general3A_108 : vector<2000x256xf32>
      %get3A_110 = arith.constant 0 : index
      %get3A_111 = arith.constant 0 : index
      %get3A_112 = vector.load %arg9[%get3A_110, %get3A_111] : memref<1x256xf32, #tpu.memory_space<vmem>>, vector<1x256xf32>
      %get3A_113 = vector.shape_cast %get3A_112 : vector<1x256xf32> to vector<256xf32>
      %broadcast_in_dim3A_114 = vector.shape_cast %get3A_113 : vector<256xf32> to vector<1x256xf32>
      %add3A_115 = vector.broadcast %broadcast_in_dim3A_114 : vector<1x256xf32> to vector<2000x256xf32>
      %add3A_116 = arith.addf %add3A_109, %add3A_115 : vector<2000x256xf32>
      %reduce_sum3A_117 = arith.constant dense<0.000000e+00> : vector<256xf32>
      %reduce_sum3A_118 = vector.multi_reduction <add>, %add3A_116, %reduce_sum3A_117 [0] : vector<2000x256xf32> to vector<256xf32>
      %add3A_119 = arith.addf %add3A_98, %reduce_sum3A_118 : vector<256xf32>
      %mul3A_120 = arith.mulf %add3A_116, %add3A_116 : vector<2000x256xf32>
      %reduce_sum3A_121 = arith.constant dense<0.000000e+00> : vector<256xf32>
      %reduce_sum3A_122 = vector.multi_reduction <add>, %mul3A_120, %reduce_sum3A_121 [0] : vector<2000x256xf32> to vector<256xf32>
      %add3A_123 = arith.addf %add3A_102, %reduce_sum3A_122 : vector<256xf32>
      %eq3A_124 = arith.constant 0 : i32
      %eq3A_125 = arith.cmpi eq, %arg1, %eq3A_124 : i32
      %convert_element_type3A_126 = arith.extui %eq3A_125 : i1 to i32
      %cond3A_127 = arith.constant 0 : i32
      %cond3A_128 = arith.cmpi ne, %convert_element_type3A_126, %cond3A_127 : i32
      scf.if %cond3A_128 {
        %broadcast_in_dim3A_145 = arith.constant 0.000000e+00 : f32
        %broadcast_in_dim3A_146 = vector.broadcast %broadcast_in_dim3A_145 : f32 to vector<8x256xf32>
        %swap3A_147 = arith.constant 0 : index
        %swap3A_148 = arith.constant 0 : index
        %swap3A_149 = vector.load %arg16[%swap3A_147, %swap3A_148] : memref<8x256xf32, #tpu.memory_space<vmem>>, vector<8x256xf32>
        tpu.vector_store %arg16[%swap3A_147, %swap3A_148], %broadcast_in_dim3A_146 {strides = array<i32>} : memref<8x256xf32, #tpu.memory_space<vmem>>, vector<8x256xf32>,
      } else {
      }
      %get3A_129 = arith.constant 0 : index
      %get3A_130 = arith.constant 0 : index
      %get3A_131 = vector.load %arg16[%get3A_129, %get3A_130] : memref<8x256xf32, #tpu.memory_space<vmem>>, vector<1x256xf32>
      %broadcast_in_dim3A_132 = vector.shape_cast %add3A_119 : vector<256xf32> to vector<1x256xf32>
      %add3A_133 = arith.addf %get3A_131, %broadcast_in_dim3A_132 : vector<1x256xf32>
      %swap3A_134 = arith.constant 0 : index
      %swap3A_135 = arith.constant 0 : index
      %swap3A_136 = vector.load %arg16[%swap3A_134, %swap3A_135] : memref<8x256xf32, #tpu.memory_space<vmem>>, vector<1x256xf32>
      tpu.vector_store %arg16[%swap3A_134, %swap3A_135], %add3A_133 {strides = array<i32>} : memref<8x256xf32, #tpu.memory_space<vmem>>, vector<1x256xf32>,
      %get3A_137 = arith.constant 1 : index
      %get3A_138 = arith.constant 0 : index
      %get3A_139 = vector.load %arg16[%get3A_137, %get3A_138] : memref<8x256xf32, #tpu.memory_space<vmem>>, vector<1x256xf32>
      %broadcast_in_dim3A_140 = vector.shape_cast %add3A_123 : vector<256xf32> to vector<1x256xf32>
      %add3A_141 = arith.addf %get3A_139, %broadcast_in_dim3A_140 : vector<1x256xf32>
      %swap3A_142 = arith.constant 1 : index
      %swap3A_143 = arith.constant 0 : index
      %swap3A_144 = vector.load %arg16[%swap3A_142, %swap3A_143] : memref<8x256xf32, #tpu.memory_space<vmem>>, vector<1x256xf32>
      tpu.vector_store %arg16[%swap3A_142, %swap3A_143], %add3A_141 {strides = array<i32>} : memref<8x256xf32, #tpu.memory_space<vmem>>, vector<1x256xf32>,
    } else {
    }
    %eq3A_6 = arith.constant 1 : i32
    %eq3A_7 = arith.cmpi eq, %arg0, %eq3A_6 : i32
    %convert_element_type3A_8 = arith.extui %eq3A_7 : i1 to i32
    %cond3A_9 = arith.constant 0 : i32
    %cond3A_10 = arith.cmpi ne, %convert_element_type3A_8, %cond3A_9 : i32
    scf.if %cond3A_10 {
      %get3A_11 = arith.constant 0 : index
      %get3A_12 = arith.constant 0 : index
      %get3A_13 = vector.load %arg16[%get3A_11, %get3A_12] : memref<8x256xf32, #tpu.memory_space<vmem>>, vector<1x256xf32>
      %get3A_14 = vector.shape_cast %get3A_13 : vector<1x256xf32> to vector<256xf32>
      %div3A = arith.constant 4.000000e+04 : f32
      %div3A_15 = vector.broadcast %div3A : f32 to vector<256xf32>
      %div3A_16 = arith.divf %get3A_14, %div3A_15 : vector<256xf32>
      %get3A_17 = arith.constant 1 : index
      %get3A_18 = arith.constant 0 : index
      %get3A_19 = vector.load %arg16[%get3A_17, %get3A_18] : memref<8x256xf32, #tpu.memory_space<vmem>>, vector<1x256xf32>
      %get3A_20 = vector.shape_cast %get3A_19 : vector<1x256xf32> to vector<256xf32>
      %div3A_21 = arith.constant 4.000000e+04 : f32
      %div3A_22 = vector.broadcast %div3A_21 : f32 to vector<256xf32>
      %div3A_23 = arith.divf %get3A_20, %div3A_22 : vector<256xf32>
      %mul3A = arith.mulf %div3A_16, %div3A_16 : vector<256xf32>
      %sub3A = arith.subf %div3A_23, %mul3A : vector<256xf32>
      %get3A_24 = arith.constant 0 : index
      %get3A_25 = arith.constant 0 : index
      %get3A_26 = vector.load %arg10[%get3A_24, %get3A_25] : memref<1x256xf32, #tpu.memory_space<vmem>>, vector<1x256xf32>
      %get3A_27 = vector.shape_cast %get3A_26 : vector<1x256xf32> to vector<256xf32>
      %add3A_28 = arith.constant 9.99999974E-6 : f32
      %add3A_29 = vector.broadcast %add3A_28 : f32 to vector<256xf32>
      %add3A_30 = arith.addf %sub3A, %add3A_29 : vector<256xf32>
      %rsqrt3A = math.rsqrt %add3A_30 : vector<256xf32>
      %mul3A_31 = arith.mulf %get3A_27, %rsqrt3A : vector<256xf32>
      %get3A_32 = arith.constant 0 : index
      %get3A_33 = arith.constant 0 : index
      %get3A_34 = vector.load %arg11[%get3A_32, %get3A_33] : memref<1x256xf32, #tpu.memory_space<vmem>>, vector<1x256xf32>
      %get3A_35 = vector.shape_cast %get3A_34 : vector<1x256xf32> to vector<256xf32>
      %mul3A_36 = arith.mulf %div3A_16, %mul3A_31 : vector<256xf32>
      %sub3A_37 = arith.subf %get3A_35, %mul3A_36 : vector<256xf32>
      %mul3A_38 = arith.constant 2000 : i32
      %mul3A_39 = arith.muli %arg1, %mul3A_38 : i32
      %get3A_40 = arith.index_cast %mul3A_39 : i32 to index
      %get3A_41 = arith.constant 0 : index
      %get3A_42 = vector.load %arg15[%get3A_40, %get3A_41] : memref<10000x192xf32, #tpu.memory_space<vmem>>, vector<2000x192xf32>
      %slice3A = vector.extract_strided_slice %get3A_42 {offsets = [0, 0], sizes = [2000, 128], strides = [1, 1]} : vector<2000x192xf32> to vector<2000x128xf32>
      %get3A_43 = arith.constant 0 : index
      %get3A_44 = arith.constant 0 : index
      %get3A_45 = vector.load %arg7[%get3A_43, %get3A_44] : memref<128x256xf32, #tpu.memory_space<vmem>>, vector<128x256xf32>
      %dot_general3A = arith.constant dense<0.000000e+00> : vector<2000x256xf32>
      %dot_general3A_46 = tpu.matmul %slice3A, %get3A_45, %dot_general3A {dimension_numbers = #tpu.dot_dimension_numbers<[1], [0], [0], [1], [0, 0, 1, 1], [], []>, transpose_lhs_hint = false} : vector<2000x128xf32>, vector<128x256xf32>, vector<2000x256xf32> -> vector<2000x256xf32>
      %get3A_47 = arith.constant 0 : index
      %get3A_48 = arith.constant 0 : index
      %get3A_49 = vector.load %arg12[%get3A_47, %get3A_48] : memref<256x128xf32, #tpu.memory_space<vmem>>, vector<256x128xf32>
      %slice3A_50 = vector.extract_strided_slice %get3A_42 {offsets = [0, 128], sizes = [2000, 16], strides = [1, 1]} : vector<2000x192xf32> to vector<2000x16xf32>
      %get3A_51 = arith.constant 0 : index
      %get3A_52 = arith.constant 0 : index
      %get3A_53 = vector.load %arg8[%get3A_51, %get3A_52] : memref<16x256xf32, #tpu.memory_space<vmem>>, vector<16x256xf32>
      %dot_general3A_54 = arith.constant dense<0.000000e+00> : vector<2000x256xf32>
      %dot_general3A_55 = tpu.matmul %slice3A_50, %get3A_53, %dot_general3A_54 {dimension_numbers = #tpu.dot_dimension_numbers<[1], [0], [0], [1], [0, 0, 1, 1], [], []>, transpose_lhs_hint = false} : vector<2000x16xf32>, vector<16x256xf32>, vector<2000x256xf32> -> vector<2000x256xf32>
      %add3A_56 = arith.addf %dot_general3A_46, %dot_general3A_55 : vector<2000x256xf32>
      %get3A_57 = arith.constant 0 : index
      %get3A_58 = arith.constant 0 : index
      %get3A_59 = vector.load %arg9[%get3A_57, %get3A_58] : memref<1x256xf32, #tpu.memory_space<vmem>>, vector<1x256xf32>
      %get3A_60 = vector.shape_cast %get3A_59 : vector<1x256xf32> to vector<256xf32>
      %broadcast_in_dim3A = vector.shape_cast %get3A_60 : vector<256xf32> to vector<1x256xf32>
      %add3A_61 = vector.broadcast %broadcast_in_dim3A : vector<1x256xf32> to vector<2000x256xf32>
      %add3A_62 = arith.addf %add3A_56, %add3A_61 : vector<2000x256xf32>
      %broadcast_in_dim3A_63 = vector.shape_cast %mul3A_31 : vector<256xf32> to vector<1x256xf32>
      %mul3A_64 = vector.broadcast %broadcast_in_dim3A_63 : vector<1x256xf32> to vector<2000x256xf32>
      %mul3A_65 = arith.mulf %add3A_62, %mul3A_64 : vector<2000x256xf32>
      %broadcast_in_dim3A_66 = vector.shape_cast %sub3A_37 : vector<256xf32> to vector<1x256xf32>
      %add3A_67 = vector.broadcast %broadcast_in_dim3A_66 : vector<1x256xf32> to vector<2000x256xf32>
      %add3A_68 = arith.addf %mul3A_65, %add3A_67 : vector<2000x256xf32>
      %max3A = arith.constant 0.000000e+00 : f32
      %max3A_69 = vector.broadcast %max3A : f32 to vector<2000x256xf32>
      %max3A_70 = arith.maximumf %add3A_68, %max3A_69 : vector<2000x256xf32>
      %dot_general3A_71 = arith.constant dense<0.000000e+00> : vector<2000x128xf32>
      %dot_general3A_72 = tpu.matmul %max3A_70, %get3A_49, %dot_general3A_71 {dimension_numbers = #tpu.dot_dimension_numbers<[1], [0], [0], [1], [0, 0, 1, 1], [], []>, transpose_lhs_hint = false} : vector<2000x256xf32>, vector<256x128xf32>, vector<2000x128xf32> -> vector<2000x128xf32>
      %get3A_73 = arith.constant 0 : index
      %get3A_74 = arith.constant 0 : index
      %get3A_75 = vector.load %arg13[%get3A_73, %get3A_74] : memref<1x128xf32, #tpu.memory_space<vmem>>, vector<1x128xf32>
      %get3A_76 = vector.shape_cast %get3A_75 : vector<1x128xf32> to vector<128xf32>
      %broadcast_in_dim3A_77 = vector.shape_cast %get3A_76 : vector<128xf32> to vector<1x128xf32>
      %add3A_78 = vector.broadcast %broadcast_in_dim3A_77 : vector<1x128xf32> to vector<2000x128xf32>
      %add3A_79 = arith.addf %dot_general3A_72, %add3A_78 : vector<2000x128xf32>
      %swap3A = arith.constant 0 : index
      %swap3A_80 = arith.constant 0 : index
      %swap3A_81 = vector.load %arg14[%swap3A, %swap3A_80] : memref<2000x512xf32, #tpu.memory_space<vmem>>, vector<2000x128xf32>
      tpu.vector_store %arg14[%swap3A, %swap3A_80], %add3A_79 {strides = array<i32>} : memref<2000x512xf32, #tpu.memory_space<vmem>>, vector<2000x128xf32>,
      %slice3A_82 = vector.extract_strided_slice %get3A_42 {offsets = [0, 144], sizes = [2000, 16], strides = [1, 1]} : vector<2000x192xf32> to vector<2000x16xf32>
      %get3A_83 = arith.constant 0 : index
      %get3A_84 = arith.constant 0 : index
      %get3A_85 = vector.load %arg8[%get3A_83, %get3A_84] : memref<16x256xf32, #tpu.memory_space<vmem>>, vector<16x256xf32>
      %dot_general3A_86 = arith.constant dense<0.000000e+00> : vector<2000x256xf32>
      %dot_general3A_87 = tpu.matmul %slice3A_82, %get3A_85, %dot_general3A_86 {dimension_numbers = #tpu.dot_dimension_numbers<[1], [0], [0], [1], [0, 0, 1, 1], [], []>, transpose_lhs_hint = false} : vector<2000x16xf32>, vector<16x256xf32>, vector<2000x256xf32> -> vector<2000x256xf32>
      %add3A_88 = arith.addf %dot_general3A_46, %dot_general3A_87 : vector<2000x256xf32>
      %get3A_89 = arith.constant 0 : index
      %get3A_90 = arith.constant 0 : index
      %get3A_91 = vector.load %arg9[%get3A_89, %get3A_90] : memref<1x256xf32, #tpu.memory_space<vmem>>, vector<1x256xf32>
      %get3A_92 = vector.shape_cast %get3A_91 : vector<1x256xf32> to vector<256xf32>
      %broadcast_in_dim3A_93 = vector.shape_cast %get3A_92 : vector<256xf32> to vector<1x256xf32>
      %add3A_94 = vector.broadcast %broadcast_in_dim3A_93 : vector<1x256xf32> to vector<2000x256xf32>
      %add3A_95 = arith.addf %add3A_88, %add3A_94 : vector<2000x256xf32>
      %broadcast_in_dim3A_96 = vector.shape_cast %mul3A_31 : vector<256xf32> to vector<1x256xf32>
      %mul3A_97 = vector.broadcast %broadcast_in_dim3A_96 : vector<1x256xf32> to vector<2000x256xf32>
      %mul3A_98 = arith.mulf %add3A_95, %mul3A_97 : vector<2000x256xf32>
      %broadcast_in_dim3A_99 = vector.shape_cast %sub3A_37 : vector<256xf32> to vector<1x256xf32>
      %add3A_100 = vector.broadcast %broadcast_in_dim3A_99 : vector<1x256xf32> to vector<2000x256xf32>
      %add3A_101 = arith.addf %mul3A_98, %add3A_100 : vector<2000x256xf32>
      %max3A_102 = arith.constant 0.000000e+00 : f32
      %max3A_103 = vector.broadcast %max3A_102 : f32 to vector<2000x256xf32>
      %max3A_104 = arith.maximumf %add3A_101, %max3A_103 : vector<2000x256xf32>
      %dot_general3A_105 = arith.constant dense<0.000000e+00> : vector<2000x128xf32>
      %dot_general3A_106 = tpu.matmul %max3A_104, %get3A_49, %dot_general3A_105 {dimension_numbers = #tpu.dot_dimension_numbers<[1], [0], [0], [1], [0, 0, 1, 1], [], []>, transpose_lhs_hint = false} : vector<2000x256xf32>, vector<256x128xf32>, vector<2000x128xf32> -> vector<2000x128xf32>
      %get3A_107 = arith.constant 0 : index
      %get3A_108 = arith.constant 0 : index
      %get3A_109 = vector.load %arg13[%get3A_107, %get3A_108] : memref<1x128xf32, #tpu.memory_space<vmem>>, vector<1x128xf32>
      %get3A_110 = vector.shape_cast %get3A_109 : vector<1x128xf32> to vector<128xf32>
      %broadcast_in_dim3A_111 = vector.shape_cast %get3A_110 : vector<128xf32> to vector<1x128xf32>
      %add3A_112 = vector.broadcast %broadcast_in_dim3A_111 : vector<1x128xf32> to vector<2000x128xf32>
      %add3A_113 = arith.addf %dot_general3A_106, %add3A_112 : vector<2000x128xf32>
      %swap3A_114 = arith.constant 0 : index
      %swap3A_115 = arith.constant 128 : index
      %swap3A_116 = vector.load %arg14[%swap3A_114, %swap3A_115] : memref<2000x512xf32, #tpu.memory_space<vmem>>, vector<2000x128xf32>
      tpu.vector_store %arg14[%swap3A_114, %swap3A_115], %add3A_113 {strides = array<i32>} : memref<2000x512xf32, #tpu.memory_space<vmem>>, vector<2000x128xf32>,
      %slice3A_117 = vector.extract_strided_slice %get3A_42 {offsets = [0, 160], sizes = [2000, 16], strides = [1, 1]} : vector<2000x192xf32> to vector<2000x16xf32>
      %get3A_118 = arith.constant 0 : index
      %get3A_119 = arith.constant 0 : index
      %get3A_120 = vector.load %arg8[%get3A_118, %get3A_119] : memref<16x256xf32, #tpu.memory_space<vmem>>, vector<16x256xf32>
      %dot_general3A_121 = arith.constant dense<0.000000e+00> : vector<2000x256xf32>
      %dot_general3A_122 = tpu.matmul %slice3A_117, %get3A_120, %dot_general3A_121 {dimension_numbers = #tpu.dot_dimension_numbers<[1], [0], [0], [1], [0, 0, 1, 1], [], []>, transpose_lhs_hint = false} : vector<2000x16xf32>, vector<16x256xf32>, vector<2000x256xf32> -> vector<2000x256xf32>
      %add3A_123 = arith.addf %dot_general3A_46, %dot_general3A_122 : vector<2000x256xf32>
      %get3A_124 = arith.constant 0 : index
      %get3A_125 = arith.constant 0 : index
      %get3A_126 = vector.load %arg9[%get3A_124, %get3A_125] : memref<1x256xf32, #tpu.memory_space<vmem>>, vector<1x256xf32>
      %get3A_127 = vector.shape_cast %get3A_126 : vector<1x256xf32> to vector<256xf32>
      %broadcast_in_dim3A_128 = vector.shape_cast %get3A_127 : vector<256xf32> to vector<1x256xf32>
      %add3A_129 = vector.broadcast %broadcast_in_dim3A_128 : vector<1x256xf32> to vector<2000x256xf32>
      %add3A_130 = arith.addf %add3A_123, %add3A_129 : vector<2000x256xf32>
      %broadcast_in_dim3A_131 = vector.shape_cast %mul3A_31 : vector<256xf32> to vector<1x256xf32>
      %mul3A_132 = vector.broadcast %broadcast_in_dim3A_131 : vector<1x256xf32> to vector<2000x256xf32>
      %mul3A_133 = arith.mulf %add3A_130, %mul3A_132 : vector<2000x256xf32>
      %broadcast_in_dim3A_134 = vector.shape_cast %sub3A_37 : vector<256xf32> to vector<1x256xf32>
      %add3A_135 = vector.broadcast %broadcast_in_dim3A_134 : vector<1x256xf32> to vector<2000x256xf32>
      %add3A_136 = arith.addf %mul3A_133, %add3A_135 : vector<2000x256xf32>
      %max3A_137 = arith.constant 0.000000e+00 : f32
      %max3A_138 = vector.broadcast %max3A_137 : f32 to vector<2000x256xf32>
      %max3A_139 = arith.maximumf %add3A_136, %max3A_138 : vector<2000x256xf32>
      %dot_general3A_140 = arith.constant dense<0.000000e+00> : vector<2000x128xf32>
      %dot_general3A_141 = tpu.matmul %max3A_139, %get3A_49, %dot_general3A_140 {dimension_numbers = #tpu.dot_dimension_numbers<[1], [0], [0], [1], [0, 0, 1, 1], [], []>, transpose_lhs_hint = false} : vector<2000x256xf32>, vector<256x128xf32>, vector<2000x128xf32> -> vector<2000x128xf32>
      %get3A_142 = arith.constant 0 : index
      %get3A_143 = arith.constant 0 : index
      %get3A_144 = vector.load %arg13[%get3A_142, %get3A_143] : memref<1x128xf32, #tpu.memory_space<vmem>>, vector<1x128xf32>
      %get3A_145 = vector.shape_cast %get3A_144 : vector<1x128xf32> to vector<128xf32>
      %broadcast_in_dim3A_146 = vector.shape_cast %get3A_145 : vector<128xf32> to vector<1x128xf32>
      %add3A_147 = vector.broadcast %broadcast_in_dim3A_146 : vector<1x128xf32> to vector<2000x128xf32>
      %add3A_148 = arith.addf %dot_general3A_141, %add3A_147 : vector<2000x128xf32>
      %swap3A_149 = arith.constant 0 : index
      %swap3A_150 = arith.constant 256 : index
      %swap3A_151 = vector.load %arg14[%swap3A_149, %swap3A_150] : memref<2000x512xf32, #tpu.memory_space<vmem>>, vector<2000x128xf32>
      tpu.vector_store %arg14[%swap3A_149, %swap3A_150], %add3A_148 {strides = array<i32>} : memref<2000x512xf32, #tpu.memory_space<vmem>>, vector<2000x128xf32>,
      %slice3A_152 = vector.extract_strided_slice %get3A_42 {offsets = [0, 176], sizes = [2000, 16], strides = [1, 1]} : vector<2000x192xf32> to vector<2000x16xf32>
      %get3A_153 = arith.constant 0 : index
      %get3A_154 = arith.constant 0 : index
      %get3A_155 = vector.load %arg8[%get3A_153, %get3A_154] : memref<16x256xf32, #tpu.memory_space<vmem>>, vector<16x256xf32>
      %dot_general3A_156 = arith.constant dense<0.000000e+00> : vector<2000x256xf32>
      %dot_general3A_157 = tpu.matmul %slice3A_152, %get3A_155, %dot_general3A_156 {dimension_numbers = #tpu.dot_dimension_numbers<[1], [0], [0], [1], [0, 0, 1, 1], [], []>, transpose_lhs_hint = false} : vector<2000x16xf32>, vector<16x256xf32>, vector<2000x256xf32> -> vector<2000x256xf32>
      %add3A_158 = arith.addf %dot_general3A_46, %dot_general3A_157 : vector<2000x256xf32>
      %get3A_159 = arith.constant 0 : index
      %get3A_160 = arith.constant 0 : index
      %get3A_161 = vector.load %arg9[%get3A_159, %get3A_160] : memref<1x256xf32, #tpu.memory_space<vmem>>, vector<1x256xf32>
      %get3A_162 = vector.shape_cast %get3A_161 : vector<1x256xf32> to vector<256xf32>
      %broadcast_in_dim3A_163 = vector.shape_cast %get3A_162 : vector<256xf32> to vector<1x256xf32>
      %add3A_164 = vector.broadcast %broadcast_in_dim3A_163 : vector<1x256xf32> to vector<2000x256xf32>
      %add3A_165 = arith.addf %add3A_158, %add3A_164 : vector<2000x256xf32>
      %broadcast_in_dim3A_166 = vector.shape_cast %mul3A_31 : vector<256xf32> to vector<1x256xf32>
      %mul3A_167 = vector.broadcast %broadcast_in_dim3A_166 : vector<1x256xf32> to vector<2000x256xf32>
      %mul3A_168 = arith.mulf %add3A_165, %mul3A_167 : vector<2000x256xf32>
      %broadcast_in_dim3A_169 = vector.shape_cast %sub3A_37 : vector<256xf32> to vector<1x256xf32>
      %add3A_170 = vector.broadcast %broadcast_in_dim3A_169 : vector<1x256xf32> to vector<2000x256xf32>
      %add3A_171 = arith.addf %mul3A_168, %add3A_170 : vector<2000x256xf32>
      %max3A_172 = arith.constant 0.000000e+00 : f32
      %max3A_173 = vector.broadcast %max3A_172 : f32 to vector<2000x256xf32>
      %max3A_174 = arith.maximumf %add3A_171, %max3A_173 : vector<2000x256xf32>
      %dot_general3A_175 = arith.constant dense<0.000000e+00> : vector<2000x128xf32>
      %dot_general3A_176 = tpu.matmul %max3A_174, %get3A_49, %dot_general3A_175 {dimension_numbers = #tpu.dot_dimension_numbers<[1], [0], [0], [1], [0, 0, 1, 1], [], []>, transpose_lhs_hint = false} : vector<2000x256xf32>, vector<256x128xf32>, vector<2000x128xf32> -> vector<2000x128xf32>
      %get3A_177 = arith.constant 0 : index
      %get3A_178 = arith.constant 0 : index
      %get3A_179 = vector.load %arg13[%get3A_177, %get3A_178] : memref<1x128xf32, #tpu.memory_space<vmem>>, vector<1x128xf32>
      %get3A_180 = vector.shape_cast %get3A_179 : vector<1x128xf32> to vector<128xf32>
      %broadcast_in_dim3A_181 = vector.shape_cast %get3A_180 : vector<128xf32> to vector<1x128xf32>
      %add3A_182 = vector.broadcast %broadcast_in_dim3A_181 : vector<1x128xf32> to vector<2000x128xf32>
      %add3A_183 = arith.addf %dot_general3A_176, %add3A_182 : vector<2000x128xf32>
      %swap3A_184 = arith.constant 0 : index
      %swap3A_185 = arith.constant 384 : index
      %swap3A_186 = vector.load %arg14[%swap3A_184, %swap3A_185] : memref<2000x512xf32, #tpu.memory_space<vmem>>, vector<2000x128xf32>
      tpu.vector_store %arg14[%swap3A_184, %swap3A_185], %add3A_183 {strides = array<i32>} : memref<2000x512xf32, #tpu.memory_space<vmem>>, vector<2000x128xf32>,
    } else {
    }
    return
  }
  func.func @transform_0(%arg0: i32, %arg1: i32) -> (i32, i32) {
    %sub3A = arith.constant 1 : i32
    %sub3A_0 = arith.subi %sub3A, %arg0 : i32
    %mul3A = arith.muli %arg1, %sub3A_0 : i32
    %c0_i32 = arith.constant 0 : i32
    %c0_i32_1 = arith.constant 0 : i32
    return %mul3A, %c0_i32 : i32, i32
  }
  func.func @transform_1(%arg0: i32, %arg1: i32) -> (i32, i32) {
    %sub3A = arith.constant 1 : i32
    %sub3A_0 = arith.subi %sub3A, %arg0 : i32
    %mul3A = arith.muli %arg1, %sub3A_0 : i32
    %c0_i32 = arith.constant 0 : i32
    %c0_i32_1 = arith.constant 0 : i32
    return %mul3A, %c0_i32 : i32, i32
  }
  func.func @transform_2(%arg0: i32, %arg1: i32) -> (i32, i32, i32) {
    %sub3A = arith.constant 1 : i32
    %sub3A_0 = arith.subi %sub3A, %arg0 : i32
    %mul3A = arith.muli %arg1, %sub3A_0 : i32
    %c0_i32 = arith.constant 0 : i32
    %c0_i32_1 = arith.constant 0 : i32
    %c0_i32_2 = arith.constant 0 : i32
    return %c0_i32, %mul3A, %c0_i32_1 : i32, i32, i32
  }
  func.func @transform_3(%arg0: i32, %arg1: i32) -> (i32, i32, i32) {
    %sub3A = arith.constant 1 : i32
    %sub3A_0 = arith.subi %sub3A, %arg0 : i32
    %mul3A = arith.muli %arg1, %sub3A_0 : i32
    %c1_i32 = arith.constant 1 : i32
    %c0_i32 = arith.constant 0 : i32
    %c0_i32_1 = arith.constant 0 : i32
    return %c1_i32, %mul3A, %c0_i32 : i32, i32, i32
  }
  func.func @transform_4(%arg0: i32, %arg1: i32) -> (i32, i32) {
    %c0_i32 = arith.constant 0 : i32
    %c0_i32_0 = arith.constant 0 : i32
    %c0_i32_1 = arith.constant 0 : i32
    return %c0_i32, %c0_i32_0 : i32, i32
  }
  func.func @transform_5(%arg0: i32, %arg1: i32) -> (i32, i32) {
    %c0_i32 = arith.constant 0 : i32
    %c0_i32_0 = arith.constant 0 : i32
    %c0_i32_1 = arith.constant 0 : i32
    return %c0_i32, %c0_i32_0 : i32, i32
  }
  func.func @transform_6(%arg0: i32, %arg1: i32) -> (i32, i32) {
    %c0_i32 = arith.constant 0 : i32
    %c0_i32_0 = arith.constant 0 : i32
    %c0_i32_1 = arith.constant 0 : i32
    return %c0_i32, %c0_i32_0 : i32, i32
  }
  func.func @transform_7(%arg0: i32, %arg1: i32) -> (i32, i32) {
    %c0_i32 = arith.constant 0 : i32
    %c0_i32_0 = arith.constant 0 : i32
    %c0_i32_1 = arith.constant 0 : i32
    return %c0_i32, %c0_i32_0 : i32, i32
  }
  func.func @transform_8(%arg0: i32, %arg1: i32) -> (i32, i32) {
    %c0_i32 = arith.constant 0 : i32
    %c0_i32_0 = arith.constant 0 : i32
    %c0_i32_1 = arith.constant 0 : i32
    return %c0_i32, %c0_i32_0 : i32, i32
  }
  func.func @transform_9(%arg0: i32, %arg1: i32) -> (i32, i32) {
    %c0_i32 = arith.constant 0 : i32
    %c0_i32_0 = arith.constant 0 : i32
    %c0_i32_1 = arith.constant 0 : i32
    return %c0_i32, %c0_i32_0 : i32, i32
  }
  func.func @transform_10(%arg0: i32, %arg1: i32) -> (i32, i32) {
    %c0_i32 = arith.constant 0 : i32
    %c0_i32_0 = arith.constant 0 : i32
    %c0_i32_1 = arith.constant 0 : i32
    return %c0_i32, %c0_i32_0 : i32, i32
  }
  func.func @transform_11(%arg0: i32, %arg1: i32) -> (i32, i32) {
    %c0_i32 = arith.constant 0 : i32
    %c0_i32_0 = arith.constant 0 : i32
    %c0_i32_1 = arith.constant 0 : i32
    return %c0_i32, %c0_i32_0 : i32, i32
  }
  func.func @transform_12(%arg0: i32, %arg1: i32) -> (i32, i32) {
    %mul3A = arith.muli %arg1, %arg0 : i32
    %c0_i32 = arith.constant 0 : i32
    %c0_i32_0 = arith.constant 0 : i32
    return %mul3A, %c0_i32 : i32, i32
  }
}

</mosaic_0001>

<sc_bundles>
// kernel: kernel.4.cloned.1.call-start
scs
__scs_entry_jumppad:
0x0: {  	(pc) =	sbr.rel $0x88, $3  }
0x1: {  	(tag) =	ssettag $0x0;
	lr =	simm.s32 $0x1  }
0x2: {  	[smem:$0x3F97] =	sst lr;
	_ =	strace $0xD0000000  }
0x3: {  	_ = 	snop  }
0x4: {  	_ = 	snop  }
0x5: {  	_ = 	snop  }
0x6: {  	_ = 	snop  }
0x7: {  	_ = 	snop  }
__scs_overlays_trampoline_lowered:
0x8: {  	[smem:$0x3FA6] =	sst s0  }
0x9: {  	[smem:$0x3FA7] =	sst s1  }
0xa: {  	[smem:$0x3FA8] =	sst s2  }
0xb: {  	[smem:$0x3FA9] =	sst s3  }
0xc: {  	[smem:$0x3FAA] =	sst s4  }
0xd: {  	[smem:$0x3FAB] =	sst s5  }
0xe: {  	[smem:$0x3FAC] =	sst s6  }
0xf: {  	[smem:$0x3FAD] =	sst s7  }
0x10: {  	[smem:$0x3FAE] =	sst s8  }
0x11: {  	[smem:$0x3FAF] =	sst s9;
	s0 =	simm.s32 @!p0 $0x0  }
0x12: {  	s1 =	sld [smem:$0x3F95];
	s0 =	simm.s32 @p0 $0x1  }
0x13: {  	[smem:$0x3FB0] =	sst s0;
	s0 =	simm.s32 @!p1 $0x0  }
0x14: {  	s2 =	sld [smem:$0x3F94];
	s0 =	simm.s32 @p1 $0x1  }
0x15: {  	[smem:$0x3FB1] =	sst s0;
	s0 =	simm.s32 @!p2 $0x0  }
0x16: {  	s3 =	sld [smem:$0x3FDB];
	s0 =	simm.s32 @p2 $0x1  }
0x17: {  	s4 =	simm.s32 $0x1BF5;
	[smem:$0x3FB3] =	sst s0  }
0x18: {  	s0 =	sld [smem:$0x3F96];
	_ =	swait.ge [sflag:s4], $0x0  }
0x19: {  	s7 =	sld [smem:$0x3F97]  }
0x1a: {  	s8 =	sadd.s32 $0xFFFFE003, lr  }
0x1b: {  	s9 =	sadd.s32 $0xFFFFFEF7, lr;
	s5 =	simm.s32 $0xFFFFFFFF;
	p2 =	slt.u32 s8, $0xFFFFF086  }
0x1c: {  	p1 =	slt.u32 s9, $0xF7A;
	s5 =	simm.s32 @!p2 $0x0  }
0x1d: {  	s5 =	simm.s32 @p1 $0x1;
	p0 =	seq.s32 s7, s2  }
0x1e: {  	s7 =	smul.u32 @!p0 $0xF7A, s2;
	p2 =	seq.s32 @!p0 s5, $0x0  }
0x1f: {  	s9 =	smul.u32 $0xF7A, s1;
	s8 =	simm.s32 @!p0 $0x1BF5;
	p2 =	por !p2, p0  }
0x20: {  	[sflag:s8] =	ssyncset.s32 @!p0 $0xFFFFF086;
	s6 =	sadd.s32 @!p0 s3, s7;
	s7 =	simm.s32 @!p0 $0x108  }
0x21: {  	s3 =	sadd.s32 s3, s9;
	s6 =	sadd.s32 @!p0 $0x88, s6;
	s7 =	simm.s32 @p2 $0x1082  }
0x22: {  	[simem:s7], [sflag:s8] =	dma.local @!p0 [hbm:s6], $0xF7A  }
0x23: {  	s9 =	sor.u32 $0xD0000000, s2;
	s6 =	simm.s32 $0x108;
	_ =	swait.ge @!p0 [sflag:s8], $0x0  }
0x24: {  	s3 =	sadd.s32 $0x88, s3;
	s6 =	simm.s32 @!p1 $0x1082;
	[sflag:s4] =	ssyncset.s32 $0xFFFFF086  }
0x25: {  	[simem:s6], [sflag:s4] =	dma.local [hbm:s3], $0xF7A  }
0x26: {  	[smem:$0x3F97] =	sst s1;
	(tag) =	ssettag s2;
	_ =	strace s9  }
0x27: {  	s1 =	sld [smem:$0x3FA7]  }
0x28: {  	s2 =	sld [smem:$0x3FA8]  }
0x29: {  	s4 =	sld [smem:$0x3FAA]  }
0x2a: {  	p0 =	seq.s32 s5, $0x0;
	s5 =	sld [smem:$0x3FAB]  }
0x2b: {  	s6 =	sld [smem:$0x3FAC]  }
0x2c: {  	s7 =	sld [smem:$0x3FAD]  }
0x2d: {  	s3 =	simm.s32 $0x108;
	s8 =	sld [smem:$0x3FAE]  }
0x2e: {  	s3 =	simm.s32 @!p0 $0x1082;
	s9 =	sld [smem:$0x3FAF]  }
0x2f: {  	lr =	sadd.s32 s0, s3;
	s0 =	sld [smem:$0x3FA6]  }
0x30: {  	s3 =	sld [smem:$0x3FA9]  }
0x31: {  	[smem:$0x3FB2] =	sst s10  }
0x32: {  	s10 =	sld [smem:$0x3FB0];
	_ =	sdelay $0x3  }
0x33: {  	p0 =	seq.s32 s10, $0x1;
	s10 =	sld [smem:$0x3FB2];
	_ =	sdelay $0x3  }
0x34: {  	[smem:$0x3FB2] =	sst s10  }
0x35: {  	s10 =	sld [smem:$0x3FB1];
	_ =	sdelay $0x3  }
0x36: {  	p1 =	seq.s32 s10, $0x1;
	s10 =	sld [smem:$0x3FB2];
	_ =	sdelay $0x3  }
0x37: {  	[smem:$0x3FB2] =	sst s10  }
0x38: {  	s10 =	sld [smem:$0x3FB3]  }
0x39: {  	_ = 	snop;
	(pc) =	sbr.ind lr, $3  }
0x3a: {  	_ = 	snop  }
0x3b: {  	_ = 	snop  }
0x3c: {  	p2 =	seq.s32 s10, $0x1;
	s10 =	sld [smem:$0x3FB2]  }
0x3d: {  	_ =	shalt  }
0x3e: {  	_ =	shalt  }
0x3f: {  	_ =	shalt  }
0x40: {  	_ =	shalt  }
0x41: {  	_ =	shalt  }
0x42: {  	_ =	shalt  }
0x43: {  	_ =	shalt  }
0x44: {  	_ =	shalt  }
0x45: {  	_ =	shalt  }
0x46: {  	_ =	shalt  }
0x47: {  	_ =	shalt  }
0x48: {  	_ =	shalt  }
0x49: {  	_ =	shalt  }
0x4a: {  	_ =	shalt  }
0x4b: {  	_ =	shalt  }
0x4c: {  	_ =	shalt  }
0x4d: {  	_ =	shalt  }
0x4e: {  	_ =	shalt  }
0x4f: {  	_ =	shalt  }
0x50: {  	_ =	shalt  }
0x51: {  	_ =	shalt  }
0x52: {  	_ =	shalt  }
0x53: {  	_ =	shalt  }
0x54: {  	_ =	shalt  }
0x55: {  	_ =	shalt  }
0x56: {  	_ =	shalt  }
0x57: {  	_ =	shalt  }
0x58: {  	_ =	shalt  }
0x59: {  	_ =	shalt  }
0x5a: {  	_ =	shalt  }
0x5b: {  	_ =	shalt  }
0x5c: {  	_ =	shalt  }
0x5d: {  	_ =	shalt  }
0x5e: {  	_ =	shalt  }
0x5f: {  	_ =	shalt  }
0x60: {  	_ =	shalt  }
0x61: {  	_ =	shalt  }
0x62: {  	_ =	shalt  }
0x63: {  	_ =	shalt  }
0x64: {  	_ =	shalt  }
0x65: {  	_ =	shalt  }
0x66: {  	_ =	shalt  }
0x67: {  	_ =	shalt  }
0x68: {  	_ =	shalt  }
0x69: {  	_ =	shalt  }
0x6a: {  	_ =	shalt  }
0x6b: {  	_ =	shalt  }
0x6c: {  	_ =	shalt  }
0x6d: {  	_ =	shalt  }
0x6e: {  	_ =	shalt  }
0x6f: {  	_ =	shalt  }
0x70: {  	_ =	shalt  }
0x71: {  	_ =	shalt  }
0x72: {  	_ =	shalt  }
0x73: {  	_ =	shalt  }
0x74: {  	_ =	shalt  }
0x75: {  	_ =	shalt  }
0x76: {  	_ =	shalt  }
0x77: {  	_ =	shalt  }
0x78: {  	_ =	shalt  }
0x79: {  	_ =	shalt  }
0x7a: {  	_ =	shalt  }
0x7b: {  	_ =	shalt  }
0x7c: {  	_ =	shalt  }
0x7d: {  	_ =	shalt  }
0x7e: {  	_ =	shalt  }
0x7f: {  	_ =	shalt  }
0x80: {  	_ =	shalt  }
0x81: {  	_ =	shalt  }
0x82: {  	_ =	shalt  }
0x83: {  	_ =	shalt  }
0x84: {  	_ =	shalt  }
0x85: {  	_ =	shalt  }
0x86: {  	_ =	shalt  }
0x87: {  	_ =	shalt  }
.Lfunc_end0:
.L_simem_size_0:
called_computation_lowered:
.L_overlay_start_0:
0x88: {  	s2 =	sld [smem:$0x3FD9]  }
0x89: {  	s3 =	sld [smem:$0x3FFE];
	_ =	sdelay $0x1  }
0x8a: {  	s1 =	srdreg.scid  }
0x8b: {  	s0 =	sand.u32 $0x1, s1  }
0x8c: {  	s17 =	sshll.u32 s0, $0xA;
	s2 =	sadd.s32 s3, s2  }
0x8d: {  	s2 =	sadd.s32 s2, s17  }
0x8e: {  	[smem:$0x3FBE] =	sst s2  }
0x8f: {  	_ = 	snop  }
0x90: {  	s2 =	sld [smem:$0x3FD0];
	(tm) =	ssettm $0x1  }
0x91: {  	s18 =	sld [smem:$0x3FFB];
	_ =	sdelay $0x3  }
0x92: {  	_ =	strace s18  }
0x93: {  	s3 =	sld [smem:$0x3FFC];
	_ =	sdelay $0x3  }
0x94: {  	_ =	strace s3  }
0x95: {  	s3 =	sld [smem:$0x3FFD];
	_ =	sdelay $0x3  }
0x96: {  	_ =	strace s3  }
0x97: {  	_ =	strace $0x8FFFFFFF  }
0x98: {  	s19 =	sld [smem:$0x3FDB];
	_ =	sdelay $0x1  }
0x99: {  	s4 =	simm.s32 $_scs_section_size  }
0x9a: {  	s5 =	simm.s32 $_size__tile_overlayer_lowered;
	s6 =	simm.s32 $_tile_overlayer_lowered  }
0x9b: {  	s22 =	simm.s32 $0x1BFF;
	s21 =	sshll.u32 s6, $0x1;
	s3 =	sadd.s32 s4, s19  }
0x9c: {  	s7 =	simm.s32 $0x0;
	s20 =	sshll.u32 s5, $0x1;
	s5 =	sadd.s32 s21, s3  }
0x9d: {  	[timem:s7], [sflag:s22] =	dma.local [hbm:s5], s20  }
0x9e: {  	_ =	swait.ge [sflag:s22], s20  }
0x9f: {  	s4 =	ssub.s32 $0x0, s20;
	[sflag:s22] =	ssyncset.done $0x0  }
0xa0: {  	[sflag:s22] =	ssyncadd.s32 s4;
	_ =	sdelay $0x1  }
0xa1: {  	s23 =	simm.s32 $0x1B8B  }
0xa2: {  	_ =	swait.ge [sflag:s23], $0x1  }
0xa3: {  	[sflag:s23] =	ssyncset.done $0x0  }
0xa4: {  	s25 =	simm.s32 $0x1B8E;
	s24 =	sld [smem:$0x3FFE];
	[sflag:s23] =	ssyncadd.s32 $0xFFFFFFFF  }
0xa5: {  	s26 =	simm.s32 $execute0_lowered;
	[smem:$0x3FD2] =	sst s25  }
0xa6: {  	s5 =	sshll.u32 s26, $0x1;
	_ =	strace $0x80000046;
	[dreg:$0x1] =	wrdreg $0xFFFFFFFF  }
0xa7: {  	s28 =	simm.s32 $_size_execute0_lowered;
	s3 =	sadd.s32 s3, s5;
	[dreg:$0x0] =	wrdreg $0x0  }
0xa8: {  	s5 =	sshll.u32 s28, $0x1;
	[dreg:$0x2] =	wrdreg s3  }
0xa9: {  	[dreg:$0x3] =	wrdreg s5  }
0xaa: {  	[dreg:$0x4] =	wrdreg $0xC0  }
0xab: {  	_ =	task [dreg:s7], $0x5FFFF  }
0xac: {  	[dreg:$0x1] =	wrdreg $0xFFFFFFFF  }
0xad: {  	[dreg:$0x0] =	wrdreg $0x60  }
0xae: {  	[dreg:$0x2] =	wrdreg s24  }
0xaf: {  	[dreg:$0x3] =	wrdreg s2  }
0xb0: {  	[dreg:$0x4] =	wrdreg $0x1E000  }
0xb1: {  	[dreg:$0x5] =	wrdreg $0x10B000  }
0xb2: {  	[dreg:$0x6] =	wrdreg $0x9  }
0xb3: {  	_ =	task.clear_ibuf [dreg:s7], $0x7FFFF;
	_ =	strace $0x90000046  }
0xb4: {  	s29 =	simm.s32 $0x9;
	_ =	strace $0x80000048  }
0xb5: {  	_ =	swait.ge [sflag:s29], $0x1  }
0xb6: {  	[sflag:s29] =	ssyncadd.s32 $0xFFFFFFFF  }
0xb7: {  	_ =	strace $0x90000048  }
0xb8: {  	_ =	sfence  }
0xb9: {  	s30 =	sld [smem:$0x0];
	_ =	sdelay $0x2  }
0xba: {  	s31 =	sshll.u32 s1, $0xD;
	s1 =	sshrl.u32 s1, $0x2  }
0xbb: {  	s3 =	sand.u32 $0x4000, s31;
	s1 =	sadd.s32 s1, s30  }
0xbc: {  	s0 =	sor.u32 s3, s0;
	s1 =	sshll.u32 s1, $0x11  }
0xbd: {  	s0 =	sor.u32 s1, s0  }
0xbe: {  	s0 =	sadd.s32 $0x8F2B, s0  }
0xbf: {  	[sflag:s0] =	ssyncadd.remote.s32 $0x1  }
0xc0: {  	_ =	sfence.sel $0xFFFF  }
0xc1: {  	[dreg:$0x0] =	wrdreg $0xFFFFFFFF;
	(pc) =	sbr.abs _section_cstart, $3  }
0xc2: {  	[dreg:$0x1] =	wrdreg $0xFFFFFFFF  }
0xc3: {  	_ =	task.clear_ibuf [dreg:s7], $0x2FFFF;
	_ =	strace $0x9FFFFFFF  }
0xc4: {  	(tm) =	ssettm $0x7FFFFFFF  }
0xc5: {  	_ =	shalt  }
tec
execute0_lowered:
.L_overlay_start_1:
0x0: {  	(tag) =	ssettag $0x1  }
0x1: {  	s0 =	rddreg [dreg:$0x0]  }
0x2: {  	s4 =	rddreg [dreg:$0x1]  }
0x3: {  	s1 =	rddreg [dreg:$0x2]  }
0x4: {  	s2 =	rddreg [dreg:$0x3];
	s3 =	simm.s32 $0x0  }
0x5: {  	s5 =	srdreg.scid;
	s17 =	stileid.u32;
	s29 =	simm.s32 $0x4  }
0x6: {  	s30 =	simm.s32 $0x9;
	s31 =	simm.s32 $0x11;
	s28 =	simm.s32 $0x1FA58  }
0x7: {  	[smem:$0x7FF] =	sst s3;
	s8 =	sadd.s32 $0x46400, s0;
	s10 =	smul.u32 $0xED00, s17  }
0x8: {  	s5 =	sand.u32 $0x1, s5;
	s9 =	sadd.s32 $0x3C600, s0;
	s11 =	smul.u32 $0x9D8, s17  }
0x9: {  	s7 =	sadd.s32 $0x50200, s0;
	s13 =	smul.u32 $0x4EC0, s17;
	_ =	strace $0x80000047  }
0xa: {  	s6 =	ssub.s32 $0x2, s5;
	[dreg:$0x5] =	wrdreg s7;
	p0 =	seq.s32 s5, $0x1  }
0xb: {  	s5 =	smul.u32 $0xED000, s5;
	s24 =	sshrl.u32 s6, $0x1;
	s14 =	sadd.s32 s10, s1  }
0xc: {  	s15 =	sor.u32 $0x5, s11;
	s7 =	sadd.s32 s9, s11;
	s26 =	sshrl.u32 s13, $0x3  }
0xd: {  	s16 =	sadd.s32 $0x78, s13;
	s13 =	sadd.s32 $0xC8, s13;
	s23 =	sshrl.u32 s10, $0x3  }
0xe: {  	s12 =	ssub.s32 s6, s24;
	s6 =	sadd.s32 s8, s11;
	s25 =	sadd.s32 s8, s15  }
0xf: {  	s15 =	sadd.s32 s9, s15;
	s19 =	sadd.s32 $0xA, s26;
	s20 =	sshrl.u32 s16, $0x3  }
0x10: {  	s11 =	sadd.s32 $0x14, s26;
	s13 =	sshrl.u32 s13, $0x3;
	[dreg:$0x6] =	wrdreg s25  }
0x11: {  	s5 =	sadd.s32 s10, s5;
	s10 =	sadd.s32 s10, s2;
	[dreg:$0x7] =	wrdreg s15  }
0x12: {  	s26 =	sshrl.u32 s14, $0x3;
	s14 =	simm.s32 $0x1;
	[dreg:$0x10] =	wrdreg s10  }
0x13: {  	s18 =	sadd.s32 s8, s19;
	s15 =	sadd.s32 s9, s19;
	[dreg:$0x15] =	wrdreg s26  }
0x14: {  	s16 =	sadd.s32 s8, s20;
	s21 =	sadd.s32 s8, s11;
	[dreg:$0x8] =	wrdreg s18  }
0x15: {  	s11 =	sadd.s32 s9, s11;
	s8 =	sadd.s32 s8, s13;
	[dreg:$0x9] =	wrdreg s15  }
0x16: {  	s22 =	sadd.s32 s9, s13;
	s5 =	sshrl.u32 s5, $0x3;
	[dreg:$0xa] =	wrdreg s16  }
0x17: {  	s24 =	smax.u32 s12, $0x1;
	s25 =	sshll.u32 s17, $0x6;
	[dreg:$0xc] =	wrdreg s21  }
0x18: {  	s17 =	simm.s32 $0x1F8C8;
	s13 =	simm.s32 $0x28;
	[dreg:$0xd] =	wrdreg s11  }
0x19: {  	s19 =	simm.s32 $0xF00;
	s10 =	simm.s32 $0x14;
	[dreg:$0xe] =	wrdreg s8  }
0x1a: {  	s26 =	simm.s32 $0x1F918;
	s15 =	sadd.s32 s9, s20;
	[dreg:$0xf] =	wrdreg s22  }
0x1b: {  	s8 =	simm.s32 $0x1200;
	s4 =	sadd.s32 s4, s5;
	[dreg:$0x12] =	wrdreg s24  }
0x1c: {  	s12 =	sor.u32 $0x1C15, s25;
	s16 =	simm.s32 $0x15;
	s18 =	simm.s32 $0x1FA08  }
0x1d: {  	s20 =	simm.s32 $0x2;
	s25 =	simm.s32 $0x3;
	s5 =	simm.s32 $0xB  }
.Ltmp0:
0x1e: {  	s9 =	simm.s32 $0xC;
	s22 =	simm.s32 $0x1F8F0;
	(pc) =	sbr.rel .LBB2_1-.Ltmp0, $4  }
0x1f: {  	s24 =	simm.s32 $0x1FA30;
	[dreg:$0xb] =	wrdreg s15;
	s8 =	simm.s32 @!p0 $0x1EC00  }
0x20: {  	[dreg:$0x11] =	wrdreg s4;
	s4 =	simm.s32 $0x12;
	s0 =	sadd.s32 s8, s0  }
0x21: {  	s15 =	simm.s32 $0x0;
	[dreg:$0x14] =	wrdreg s12;
	s0 =	sadd.s32 s0, s23  }
0x22: {  	s8 =	simm.s32 $0x13;
	[dreg:$0x13] =	wrdreg s0;
	s0 =	simm.s32 $0xA  }
.LBB2_4:
0x23: {  	_ =	swait.ge [sflag:s25], $0xF00  }
0x24: {  	[sflag:s25] =	ssyncset.done $0x0  }
0x25: {  	[sflag:s25] =	ssyncadd.s32 $0xFFFFF100  }
0x26: {  	_ =	swait.ge [sflag:s29], $0xF00  }
0x27: {  	[sflag:s29] =	ssyncset.done $0x0  }
0x28: {  	[sflag:s29] =	ssyncadd.s32 $0xFFFFF100  }
0x29: {  	[bflag:$0x0] =	sbarrier.arrive $0xFFFF  }
0x2a: {  	s11 =	rddreg [dreg:$0x11]  }
0x2b: {  	s12 =	rddreg [dreg:$0x14]  }
0x2c: {  	s16 =	simm.s32 $0x15;
	s15 =	rddreg [dreg:$0x17]  }
0x2d: {  	[hbm:s11], [sflag:s12] =	dma.local [spmem:s15], $0x1DA0  }
0x2e: {  	_ =	swait.ge [sflag:s16], $0x1DA0  }
0x2f: {  	s21 =	rddreg [dreg:$0x16]  }
0x30: {  	s23 =	rddreg [dreg:$0x12];
	s15 =	sadd.s32 $0x1, s21  }
0x31: {  	p0 =	sne.s32 s15, s23  }
.Ltmp1:
0x32: {  	_ = 	snop;
	(pc) =	sbr.rel @!p0 .LBB2_5-.Ltmp1, $3  }
0x33: {  	_ =	sdelay $0x1  }
0x34: {  	[sflag:s16] =	ssyncset.done $0x0  }
0x35: {  	s17 =	simm.s32 $0x1F8C8;
	s18 =	simm.s32 $0x1FA08;
	[sflag:s16] =	ssyncadd.s32 $0xFFFFE260  }
.LBB2_1:
0x36: {  	[dreg:$0x16] =	wrdreg s15  }
0x37: {  	s11 =	rddreg [dreg:$0x13]  }
0x38: {  	s23 =	rddreg [dreg:$0x15]  }
0x39: {  	[spmem:s23], [sflag:s12] =	dma.local [hbm:s11], $0x1DA0  }
0x3a: {  	_ =	swait.ge [sflag:s16], $0x1DA0  }
0x3b: {  	s15 =	rddreg [dreg:$0x10]  }
0x3c: {  	[sflag:s16] =	ssyncset.done $0x0;
	s23 =	rddreg [dreg:$0x5];
	s21 =	sshrl.u32 s15, $0x3  }
0x3d: {  	[sflag:s16] =	ssyncadd.s32 $0xFFFFE260;
	[dreg:$0x17] =	wrdreg s21  }
0x3e: {  	[spmem:s21], [sflag:s12] =	dma.local [hbm:s23], $0x1DA0  }
0x3f: {  	_ =	swait.ge [sflag:s16], $0x1DA0  }
0x40: {  	[sflag:s16] =	ssyncset.done $0x0  }
0x41: {  	s15 =	simm.s32 $0x1F800;
	[sflag:s16] =	ssyncadd.s32 $0xFFFFE260  }
0x42: {  	[tilespmem:s15], [sflag:$0x5] =	stream.linear.gather [hbm4b:s6+s3], $0x28, $0x38;
	[tilespmem:$0x1FA80] =	vst v63  }
0x43: {  	s16 =	simm.s32 $0x1F940  }
0x44: {  	[tilespmem:s16], [sflag:$0xD] =	stream.linear.gather [hbm4b:s7+s3], $0x28, $0x38;
	[tilespmem:$0x1FA80] =	vst v63  }
0x45: {  	s23 =	simm.s32 $0x1F828;
	s21 =	rddreg [dreg:$0x6]  }
0x46: {  	[tilespmem:s23], [sflag:$0x6] =	stream.linear.gather [hbm4b:s21+s3], $0x28, $0x38;
	[tilespmem:$0x1FA80] =	vst v63  }
0x47: {  	s15 =	rddreg [dreg:$0x7];
	s16 =	simm.s32 $0x1F968  }
0x48: {  	[tilespmem:s16], [sflag:$0xE] =	stream.linear.gather [hbm4b:s15+s3], $0x28, $0x38;
	[tilespmem:$0x1FA80] =	vst v63  }
0x49: {  	s21 =	rddreg [dreg:$0x8];
	s23 =	simm.s32 $0x1F850  }
0x4a: {  	[tilespmem:s23], [sflag:$0x7] =	stream.linear.gather [hbm4b:s21+s3], $0x28, $0x38;
	[tilespmem:$0x1FA80] =	vst v63  }
0x4b: {  	s15 =	rddreg [dreg:$0x9];
	s16 =	simm.s32 $0x1F990  }
0x4c: {  	[tilespmem:s16], [sflag:$0xF] =	stream.linear.gather [hbm4b:s15+s3], $0x28, $0x38;
	[tilespmem:$0x1FA80] =	vst v63  }
0x4d: {  	s21 =	rddreg [dreg:$0xa];
	s23 =	simm.s32 $0x1F878  }
0x4e: {  	[tilespmem:s23], [sflag:$0x8] =	stream.linear.gather [hbm4b:s21+s3], $0x28, $0x38;
	[tilespmem:$0x1FA80] =	vst v63  }
0x4f: {  	s15 =	rddreg [dreg:$0xb];
	s16 =	simm.s32 $0x1F9B8  }
0x50: {  	[tilespmem:s16], [sflag:$0x10] =	stream.linear.gather [hbm4b:s15+s3], $0x28, $0x38;
	[tilespmem:$0x1FA80] =	vst v63  }
0x51: {  	s21 =	rddreg [dreg:$0xc];
	s23 =	simm.s32 $0x1F8A0  }
0x52: {  	[tilespmem:s23], [sflag:$0x9] =	stream.linear.gather [hbm4b:s21+s3], $0x28, $0x38;
	[tilespmem:$0x1FA80] =	vst v63  }
0x53: {  	s15 =	rddreg [dreg:$0xd];
	s16 =	simm.s32 $0x1F9E0  }
0x54: {  	[tilespmem:s16], [sflag:$0x11] =	stream.linear.gather [hbm4b:s15+s3], $0x28, $0x38;
	[tilespmem:$0x1FA80] =	vst v63  }
0x55: {  	s21 =	rddreg [dreg:$0xe]  }
0x56: {  	[tilespmem:s17], [sflag:$0xA] =	stream.linear.gather [hbm4b:s21+s3], $0x28, $0x38;
	[tilespmem:$0x1FA80] =	vst v63  }
0x57: {  	s23 =	rddreg [dreg:$0xf]  }
0x58: {  	[tilespmem:s18], [sflag:$0x12] =	stream.linear.gather [hbm4b:s23+s3], $0x28, $0x38;
	[tilespmem:$0x1FA80] =	vst v63  }
0x59: {  	s15 =	simm.s32 $0x0;
	[bflag:$0x0] =	sbarrier.arrive $0xFFFF  }
.LBB2_2:
0x5a: {  	s11 =	simm.s32 $0x5  }
0x5b: {  	_ =	swait.ge [sflag:s11], $0x28  }
0x5c: {  	[sflag:s11] =	ssyncset.done $0x0  }
0x5d: {  	s16 =	simm.s32 $0xD;
	[sflag:s11] =	ssyncadd.s32 $0xFFFFFFD8  }
0x5e: {  	_ =	swait.ge [sflag:s16], $0x28  }
0x5f: {  	p0 =	seq.s32 s15, $0x0;
	[sflag:s16] =	ssyncset.done $0x0  }
0x60: {  	s11 =	simm.s32 @!p0 $0x3;
	[sflag:s16] =	ssyncadd.s32 $0xFFFFFFD8  }
0x61: {  	_ =	swait.ge @!p0 [sflag:s11], $0xF00  }
0x62: {  	[sflag:s11] =	ssyncset.done @!p0 $0x0  }
0x63: {  	s17 =	simm.s32 $0x1F800;
	[sflag:s11] =	ssyncadd.s32 @!p0 $0xFFFFF100  }
0x64: {  	[tilespmem:s3], [sflag:$0x1] =	stream.indirect.gather [spmem:s1], $0x60, s17, s13, $0xb8;
	[tilespmem:$0x1FA80] =	vst v63  }
0x65: {  	_ =	swait.ge [sflag:s14], $0xF00  }
0x66: {  	[sflag:s14] =	ssyncset.done $0x0  }
0x67: {  	s18 =	simm.s32 $0x1F940;
	s16 =	sadd.s32 s15, s6;
	[sflag:s14] =	ssyncadd.s32 $0xFFFFF100  }
0x68: {  	[spmem:s2] =	stream.indirect.scatter.add.f32 [tilespmem:s3], [sflag:$0x3], $0x60, s18, s13, $0xb8;
	[tilespmem:$0x1FA80] =	vst v63  }
0x69: {  	s21 =	sadd.s32 $0x1E, s16  }
0x6a: {  	[tilespmem:s22], [sflag:$0xB] =	stream.linear.gather [hbm4b:s21+s3], $0x28, $0x38;
	[tilespmem:$0x1FA80] =	vst v63  }
0x6b: {  	s21 =	sadd.s32 s15, s7  }
0x6c: {  	s12 =	simm.s32 $0x6;
	s23 =	sadd.s32 $0x1E, s21  }
0x6d: {  	[tilespmem:s24], [sflag:$0x13] =	stream.linear.gather [hbm4b:s23+s3], $0x28, $0x38;
	[tilespmem:$0x1FA80] =	vst v63  }
0x6e: {  	_ =	swait.ge [sflag:s12], $0x28  }
0x6f: {  	[sflag:s12] =	ssyncset.done $0x0  }
0x70: {  	s17 =	simm.s32 $0xE;
	[sflag:s12] =	ssyncadd.s32 $0xFFFFFFD8  }
0x71: {  	_ =	swait.ge [sflag:s17], $0x28  }
0x72: {  	[sflag:s17] =	ssyncset.done $0x0  }
0x73: {  	s11 =	simm.s32 @!p0 $0x4;
	[sflag:s17] =	ssyncadd.s32 $0xFFFFFFD8  }
0x74: {  	_ =	swait.ge @!p0 [sflag:s11], $0xF00  }
0x75: {  	[sflag:s11] =	ssyncset.done @!p0 $0x0  }
0x76: {  	s18 =	simm.s32 $0x1F828;
	[sflag:s11] =	ssyncadd.s32 @!p0 $0xFFFFF100  }
0x77: {  	[tilespmem:s19], [sflag:$0x2] =	stream.indirect.gather [spmem:s1], $0x60, s18, s13, $0xb8;
	[tilespmem:$0x1FA80] =	vst v63  }
0x78: {  	_ =	swait.ge [sflag:s20], $0xF00  }
0x79: {  	[sflag:s20] =	ssyncset.done $0x0  }
0x7a: {  	s23 =	simm.s32 $0x1F968;
	[sflag:s20] =	ssyncadd.s32 $0xFFFFF100  }
0x7b: {  	[spmem:s2] =	stream.indirect.scatter.add.f32 [tilespmem:s19], [sflag:$0x4], $0x60, s23, s13, $0xb8;
	[tilespmem:$0x1FA80] =	vst v63  }
0x7c: {  	s12 =	sadd.s32 $0x23, s16  }
0x7d: {  	[tilespmem:s26], [sflag:$0xC] =	stream.linear.gather [hbm4b:s12+s3], $0x28, $0x38;
	[tilespmem:$0x1FA80] =	vst v63  }
0x7e: {  	s17 =	sadd.s32 $0x23, s21;
	s18 =	simm.s32 $0x7  }
0x7f: {  	[tilespmem:s28], [sflag:$0x14] =	stream.linear.gather [hbm4b:s17+s3], $0x28, $0x38;
	[tilespmem:$0x1FA80] =	vst v63  }
0x80: {  	_ =	swait.ge [sflag:s18], $0x28  }
0x81: {  	[sflag:s18] =	ssyncset.done $0x0  }
0x82: {  	s23 =	simm.s32 $0xF;
	[sflag:s18] =	ssyncadd.s32 $0xFFFFFFD8  }
0x83: {  	_ =	swait.ge [sflag:s23], $0x28  }
0x84: {  	[sflag:s23] =	ssyncset.done $0x0  }
0x85: {  	[sflag:s23] =	ssyncadd.s32 $0xFFFFFFD8  }
0x86: {  	_ =	swait.ge [sflag:s25], $0xF00  }
0x87: {  	[sflag:s25] =	ssyncset.done $0x0  }
0x88: {  	s12 =	simm.s32 $0x1F850;
	[sflag:s25] =	ssyncadd.s32 $0xFFFFF100  }
0x89: {  	[tilespmem:s3], [sflag:$0x1] =	stream.indirect.gather [spmem:s1], $0x60, s12, s13, $0xb8;
	[tilespmem:$0x1FA80] =	vst v63  }
0x8a: {  	_ =	swait.ge [sflag:s14], $0xF00  }
0x8b: {  	p0 =	seq.s32 s15, $0x9B0;
	[sflag:s14] =	ssyncset.done $0x0  }
0x8c: {  	s11 =	sadd.s32 @!p0 s15, s6;
	s17 =	simm.s32 $0x1F990;
	[sflag:s14] =	ssyncadd.s32 $0xFFFFF100  }
0x8d: {  	[spmem:s2] =	stream.indirect.scatter.add.f32 [tilespmem:s3], [sflag:$0x3], $0x60, s17, s13, $0xb8;
	[tilespmem:$0x1FA80] =	vst v63  }
0x8e: {  	s23 =	simm.s32 @!p0 $0x0;
	s12 =	sadd.s32 @!p0 $0x28, s11;
	s17 =	simm.s32 @!p0 $0x1F800  }
0x8f: {  	[tilespmem:s17], [sflag:$0x5] =	stream.linear.gather @!p0 [hbm4b:s12+s23], $0x28, $0x38;
	[tilespmem:$0x1FA80] =	vst v63  }
0x90: {  	s12 =	sadd.s32 @!p0 s15, s7  }
0x91: {  	s18 =	simm.s32 @!p0 $0x1F940;
	s17 =	sadd.s32 @!p0 $0x28, s12  }
0x92: {  	[tilespmem:s18], [sflag:$0xD] =	stream.linear.gather @!p0 [hbm4b:s17+s23], $0x28, $0x38;
	[tilespmem:$0x1FA80] =	vst v63  }
0x93: {  	s18 =	simm.s32 $0x8  }
0x94: {  	_ =	swait.ge [sflag:s18], $0x28  }
0x95: {  	[sflag:s18] =	ssyncset.done $0x0  }
0x96: {  	[sflag:s18] =	ssyncadd.s32 $0xFFFFFFD8;
	s18 =	simm.s32 $0x10  }
0x97: {  	_ =	swait.ge [sflag:s18], $0x28  }
0x98: {  	[sflag:s18] =	ssyncset.done $0x0  }
0x99: {  	[sflag:s18] =	ssyncadd.s32 $0xFFFFFFD8  }
0x9a: {  	_ =	swait.ge [sflag:s29], $0xF00  }
0x9b: {  	[sflag:s29] =	ssyncset.done $0x0  }
0x9c: {  	s18 =	simm.s32 $0x1F878;
	[sflag:s29] =	ssyncadd.s32 $0xFFFFF100  }
0x9d: {  	[tilespmem:s19], [sflag:$0x2] =	stream.indirect.gather [spmem:s1], $0x60, s18, s13, $0xb8;
	[tilespmem:$0x1FA80] =	vst v63  }
0x9e: {  	_ =	swait.ge [sflag:s20], $0xF00  }
0x9f: {  	[sflag:s20] =	ssyncset.done $0x0  }
0xa0: {  	s18 =	simm.s32 $0x1F9B8;
	[sflag:s20] =	ssyncadd.s32 $0xFFFFF100  }
0xa1: {  	[spmem:s2] =	stream.indirect.scatter.add.f32 [tilespmem:s19], [sflag:$0x4], $0x60, s18, s13, $0xb8;
	[tilespmem:$0x1FA80] =	vst v63  }
0xa2: {  	s17 =	sadd.s32 @!p0 $0x2D, s11;
	s18 =	simm.s32 @!p0 $0x1F828  }
0xa3: {  	[tilespmem:s18], [sflag:$0x6] =	stream.linear.gather @!p0 [hbm4b:s17+s23], $0x28, $0x38;
	[tilespmem:$0x1FA80] =	vst v63  }
0xa4: {  	s17 =	sadd.s32 @!p0 $0x2D, s12;
	s18 =	simm.s32 @!p0 $0x1F968  }
0xa5: {  	[tilespmem:s18], [sflag:$0xE] =	stream.linear.gather @!p0 [hbm4b:s17+s23], $0x28, $0x38;
	[tilespmem:$0x1FA80] =	vst v63  }
0xa6: {  	_ =	swait.ge [sflag:s30], $0x28  }
0xa7: {  	[sflag:s30] =	ssyncset.done $0x0  }
0xa8: {  	[sflag:s30] =	ssyncadd.s32 $0xFFFFFFD8  }
0xa9: {  	_ =	swait.ge [sflag:s31], $0x28  }
0xaa: {  	[sflag:s31] =	ssyncset.done $0x0  }
0xab: {  	[sflag:s31] =	ssyncadd.s32 $0xFFFFFFD8  }
0xac: {  	_ =	swait.ge [sflag:s25], $0xF00  }
0xad: {  	[sflag:s25] =	ssyncset.done $0x0  }
0xae: {  	s18 =	simm.s32 $0x1F8A0;
	[sflag:s25] =	ssyncadd.s32 $0xFFFFF100  }
0xaf: {  	[tilespmem:s3], [sflag:$0x1] =	stream.indirect.gather [spmem:s1], $0x60, s18, s13, $0xb8;
	[tilespmem:$0x1FA80] =	vst v63  }
0xb0: {  	_ =	swait.ge [sflag:s14], $0xF00  }
0xb1: {  	[sflag:s14] =	ssyncset.done $0x0  }
0xb2: {  	s18 =	simm.s32 $0x1F9E0;
	[sflag:s14] =	ssyncadd.s32 $0xFFFFF100  }
0xb3: {  	[spmem:s2] =	stream.indirect.scatter.add.f32 [tilespmem:s3], [sflag:$0x3], $0x60, s18, s13, $0xb8;
	[tilespmem:$0x1FA80] =	vst v63  }
0xb4: {  	s17 =	sadd.s32 @!p0 $0x32, s11;
	s18 =	simm.s32 @!p0 $0x1F850  }
0xb5: {  	[tilespmem:s18], [sflag:$0x7] =	stream.linear.gather @!p0 [hbm4b:s17+s23], $0x28, $0x38;
	[tilespmem:$0x1FA80] =	vst v63  }
0xb6: {  	s17 =	sadd.s32 @!p0 $0x32, s12;
	s18 =	simm.s32 @!p0 $0x1F990  }
0xb7: {  	[tilespmem:s18], [sflag:$0xF] =	stream.linear.gather @!p0 [hbm4b:s17+s23], $0x28, $0x38;
	[tilespmem:$0x1FA80] =	vst v63  }
0xb8: {  	_ =	swait.ge [sflag:s0], $0x28  }
0xb9: {  	[sflag:s0] =	ssyncset.done $0x0  }
0xba: {  	[sflag:s0] =	ssyncadd.s32 $0xFFFFFFD8  }
0xbb: {  	_ =	swait.ge [sflag:s4], $0x28  }
0xbc: {  	[sflag:s4] =	ssyncset.done $0x0  }
0xbd: {  	[sflag:s4] =	ssyncadd.s32 $0xFFFFFFD8  }
0xbe: {  	_ =	swait.ge [sflag:s29], $0xF00  }
0xbf: {  	[sflag:s29] =	ssyncset.done $0x0  }
0xc0: {  	s18 =	simm.s32 $0x1F8C8;
	[sflag:s29] =	ssyncadd.s32 $0xFFFFF100  }
0xc1: {  	[tilespmem:s19], [sflag:$0x2] =	stream.indirect.gather [spmem:s1], $0x60, s18, s13, $0xb8;
	[tilespmem:$0x1FA80] =	vst v63  }
0xc2: {  	_ =	swait.ge [sflag:s20], $0xF00  }
0xc3: {  	[sflag:s20] =	ssyncset.done $0x0  }
0xc4: {  	s18 =	simm.s32 $0x1FA08;
	[sflag:s20] =	ssyncadd.s32 $0xFFFFF100  }
0xc5: {  	[spmem:s2] =	stream.indirect.scatter.add.f32 [tilespmem:s19], [sflag:$0x4], $0x60, s18, s13, $0xb8;
	[tilespmem:$0x1FA80] =	vst v63  }
0xc6: {  	s17 =	sadd.s32 @!p0 $0x37, s11;
	s18 =	simm.s32 @!p0 $0x1F878  }
0xc7: {  	[tilespmem:s18], [sflag:$0x8] =	stream.linear.gather @!p0 [hbm4b:s17+s23], $0x28, $0x38;
	[tilespmem:$0x1FA80] =	vst v63  }
0xc8: {  	s17 =	sadd.s32 @!p0 $0x37, s12;
	s18 =	simm.s32 @!p0 $0x1F9B8  }
0xc9: {  	[tilespmem:s18], [sflag:$0x10] =	stream.linear.gather @!p0 [hbm4b:s17+s23], $0x28, $0x38;
	[tilespmem:$0x1FA80] =	vst v63  }
0xca: {  	_ =	swait.ge [sflag:s5], $0x28  }
0xcb: {  	[sflag:s5] =	ssyncset.done $0x0  }
0xcc: {  	[sflag:s5] =	ssyncadd.s32 $0xFFFFFFD8  }
0xcd: {  	_ =	swait.ge [sflag:s8], $0x28  }
0xce: {  	[sflag:s8] =	ssyncset.done $0x0  }
0xcf: {  	[sflag:s8] =	ssyncadd.s32 $0xFFFFFFD8  }
0xd0: {  	_ =	swait.ge [sflag:s25], $0xF00  }
0xd1: {  	[sflag:s25] =	ssyncset.done $0x0  }
0xd2: {  	[sflag:s25] =	ssyncadd.s32 $0xFFFFF100  }
0xd3: {  	[tilespmem:s3], [sflag:$0x1] =	stream.indirect.gather [spmem:s1], $0x60, s22, s13, $0xb8;
	[tilespmem:$0x1FA80] =	vst v63  }
0xd4: {  	_ =	swait.ge [sflag:s14], $0xF00  }
0xd5: {  	[sflag:s14] =	ssyncset.done $0x0  }
0xd6: {  	[sflag:s14] =	ssyncadd.s32 $0xFFFFF100  }
0xd7: {  	[spmem:s2] =	stream.indirect.scatter.add.f32 [tilespmem:s3], [sflag:$0x3], $0x60, s24, s13, $0xb8;
	[tilespmem:$0x1FA80] =	vst v63  }
0xd8: {  	s11 =	sadd.s32 @!p0 $0x3C, s11;
	s17 =	simm.s32 @!p0 $0x1F8A0  }
0xd9: {  	[tilespmem:s17], [sflag:$0x9] =	stream.linear.gather @!p0 [hbm4b:s11+s23], $0x28, $0x38;
	[tilespmem:$0x1FA80] =	vst v63  }
0xda: {  	s11 =	sadd.s32 @!p0 $0x3C, s12;
	s12 =	simm.s32 @!p0 $0x1F9E0  }
0xdb: {  	[tilespmem:s12], [sflag:$0x11] =	stream.linear.gather @!p0 [hbm4b:s11+s23], $0x28, $0x38;
	[tilespmem:$0x1FA80] =	vst v63  }
0xdc: {  	_ =	swait.ge [sflag:s9], $0x28  }
0xdd: {  	[sflag:s9] =	ssyncset.done $0x0  }
0xde: {  	[sflag:s9] =	ssyncadd.s32 $0xFFFFFFD8  }
0xdf: {  	_ =	swait.ge [sflag:s10], $0x28  }
0xe0: {  	[sflag:s10] =	ssyncset.done $0x0  }
0xe1: {  	[sflag:s10] =	ssyncadd.s32 $0xFFFFFFD8  }
0xe2: {  	_ =	swait.ge [sflag:s29], $0xF00  }
0xe3: {  	[sflag:s29] =	ssyncset.done $0x0  }
0xe4: {  	[sflag:s29] =	ssyncadd.s32 $0xFFFFF100  }
0xe5: {  	[tilespmem:s19], [sflag:$0x2] =	stream.indirect.gather [spmem:s1], $0x60, s26, s13, $0xb8;
	[tilespmem:$0x1FA80] =	vst v63  }
.Ltmp2:
0xe6: {  	_ = 	snop;
	(pc) =	sbr.rel @p0 .LBB2_4-.Ltmp2, $4  }
0xe7: {  	_ =	swait.ge [sflag:s20], $0xF00  }
0xe8: {  	[sflag:s20] =	ssyncset.done $0x0  }
0xe9: {  	[sflag:s20] =	ssyncadd.s32 $0xFFFFF100  }
0xea: {  	[spmem:s2] =	stream.indirect.scatter.add.f32 [tilespmem:s19], [sflag:$0x4], $0x60, s28, s13, $0xb8;
	[tilespmem:$0x1FA80] =	vst v63  }
.Ltmp3:
0xeb: {  	(pc) =	sbr.rel .LBB2_2-.Ltmp3, $4  }
0xec: {  	s11 =	sadd.s32 $0x41, s16;
	s12 =	simm.s32 $0x1F8C8  }
0xed: {  	[tilespmem:s12], [sflag:$0xA] =	stream.linear.gather [hbm4b:s11+s3], $0x28, $0x38;
	[tilespmem:$0x1FA80] =	vst v63  }
0xee: {  	s21 =	sadd.s32 $0x41, s21;
	s23 =	simm.s32 $0x1FA08;
	s15 =	sadd.s32 $0x28, s15  }
0xef: {  	[tilespmem:s23], [sflag:$0x12] =	stream.linear.gather [hbm4b:s21+s3], $0x28, $0x38;
	[tilespmem:$0x1FA80] =	vst v63  }
.LBB2_5:
0xf0: {  	_ =	sfence.sel $0x180000  }
0xf1: {  	[bflag:$0x0] =	sbarrier.arrive $0xFFFF  }
0xf2: {  	_ =	strace $0x90000047  }
0xf3: {  	s0 =	stileid.u32;
	[bflag:$0x2] =	sbarrier.arrive $0xFFFF  }
0xf4: {  	p0 =	sne.s32 s0, $0x0;
	s0 =	rddreg [dreg:$0x4]  }
0xf5: {  	s0 =	sadd.s32 @!p0 $0x100000, s0  }
0xf6: {  	[sflag:s0] =	ssyncadd.tile.s32 @!p0 $0x1;
	_ =	shalt  }
.Lfunc_end2:
_tile_overlayer_lowered:
.L_overlay_start_2:
0xf7: {  	(tag) =	ssettag $0x2  }
0xf8: {  	s0 =	rddreg [dreg:$0x0];
	s2 =	stileid.u32  }
0xf9: {  	s1 =	rddreg [dreg:$0x1];
	p0 =	sne.s32 s2, $0x0  }
0xfa: {  	s3 =	rddreg [dreg:$0x2];
	[bflag:$0x3] =	sbarrier.arrive $0xFFFF;
	s2 =	simm.s32 @!p0 $0x1C15  }
0xfb: {  	[timem:s3], [sflag:s2] =	dma.local @!p0 [hbm:s0], s1  }
0xfc: {  	s0 =	simm.s32 @!p0 $0x15  }
0xfd: {  	_ =	swait.ge @!p0 [sflag:s0], s1  }
0xfe: {  	s1 =	ssub.s32 @!p0 $0x0, s1;
	[sflag:s0] =	ssyncset.done @!p0 $0x0  }
0xff: {  	[sflag:s0] =	ssyncadd.s32 @!p0 s1  }
0x100: {  	[bflag:$0x3] =	sbarrier.arrive $0xFFFF  }
0x101: {  	_ =	shalt  }

</sc_bundles>
